<compile_context>
chip_gen: v7x
topology: tpu7x:2x2x1
jax: 0.10.2.dev20260603
libtpu: 0.0.44.dev20260713+nightly
codegen_flags: <defaults>
</compile_context>

<pallas_src>
import jax
import jax.numpy as jnp
from jax import lax
from jax.experimental import pallas as pl
from jax.experimental.pallas import tpu as pltpu
from jax.experimental.pallas import tpu_sc as plsc

TOP_K = 2
N_TOKENS = 8192
HIDDEN = 2048
N_SLOTS = N_TOKENS * TOP_K

NUM_WORKERS = 32
TOK_PER_WORKER = N_TOKENS // NUM_WORKERS
SLOT_PER_WORKER = TOP_K * TOK_PER_WORKER
CHUNK_T = 2
CHUNK_R = CHUNK_T * TOP_K
N_CHUNKS = TOK_PER_WORKER // CHUNK_T
NB = 4
DEPTH = NB - 1
N_OUTER = N_CHUNKS // NB
OUT_T = 2 * CHUNK_T
IDXPAD_PER_WORKER = N_CHUNKS * 8
LANES = 16
D_VECS = HIDDEN // LANES


def _sc_body(table_hbm, idx_hbm, sc_hbm, out_hbm, idx_v, sc_v, rows_v,
             out_v, gsem0, gsem1, gsem2, gsem3, wsem0, wsem1, wsem2):
    c = lax.axis_index("c")
    s = lax.axis_index("s")
    wid = s * 2 + c
    slot_base = wid * SLOT_PER_WORKER
    tok_base = wid * TOK_PER_WORKER

    gsems = (gsem0, gsem1, gsem2, gsem3)
    wsems = (wsem0, wsem1, wsem2)

    def start_gather(g, b):
        idx_ref = idx_v.at[pl.ds(g * 8, CHUNK_R)]
        pltpu.async_copy(table_hbm.at[idx_ref], rows_v.at[b], gsems[b])

    def wait_gather(g, b):
        idx_ref = idx_v.at[pl.ds(g * 8, CHUNK_R)]
        pltpu.make_async_copy(table_hbm.at[idx_ref], rows_v.at[b],
                              gsems[b]).wait()

    def start_write(p, o):
        for o_s in range(3):
            @pl.when(o == o_s)
            def _(o_s=o_s):
                pltpu.async_copy(
                    out_v.at[o_s],
                    out_hbm.at[pl.ds(tok_base + p * OUT_T, OUT_T)],
                    wsems[o_s])

    def wait_write_static(o_s):
        pltpu.make_async_copy(out_v.at[o_s],
                              out_hbm.at[pl.ds(tok_base, OUT_T)],
                              wsems[o_s]).wait()

    def wait_write(o):
        for o_s in range(3):
            @pl.when(o == o_s)
            def _(o_s=o_s):
                wait_write_static(o_s)

    _bcast_dnums = lax.GatherDimensionNumbers(
        offset_dims=(), collapsed_slice_dims=(0,), start_index_map=(0,))

    def lane_bcast(sv, lane):
        return lax.gather(sv, jnp.full((LANES, 1), lane, jnp.int32),
                          _bcast_dnums, (1,),
                          mode=lax.GatherScatterMode.PROMISE_IN_BOUNDS)

    pltpu.sync_copy(
        idx_hbm.at[pl.ds(wid * IDXPAD_PER_WORKER, IDXPAD_PER_WORKER)], idx_v)
    for j in range(DEPTH):
        start_gather(j, j)
    pltpu.sync_copy(sc_hbm.at[pl.ds(slot_base, SLOT_PER_WORKER)], sc_v)

    def outer_body(k, carry):
        g0 = NB * k
        sv = sc_v[pl.ds(k * LANES, LANES)]
        scales = [lane_bcast(sv, r) for r in range(LANES)]

        for j in range(NB):
            g = g0 + j
            b = j
            p = 2 * k + j // 2
            o = lax.rem(p, 3)
            h = j % 2
            wait_gather(g, b)

            @pl.when(g + DEPTH < N_CHUNKS)
            def _(g=g, b=(j + DEPTH) % NB):
                start_gather(g + DEPTH, b)

            if h == 0:
                @pl.when(p >= 3)
                def _(o=o):
                    wait_write(o)

            @plsc.parallel_loop(0, D_VECS, step=1, unroll=8)
            def _(d, b=b, o=o, h=h, j=j):
                col = pl.ds(d * LANES, LANES)
                for t in range(CHUNK_T):
                    r0 = rows_v[b, 2 * t, col]
                    r1 = rows_v[b, 2 * t + 1, col]
                    out_v[o, h * CHUNK_T + t, col] = (
                        scales[4 * j + 2 * t] * r0
                        + scales[4 * j + 2 * t + 1] * r1)

            if h == 1:
                start_write(p, o)
        return carry

    lax.fori_loop(0, N_OUTER, outer_body, 0)
    wait_write_static(0)
    wait_write_static(1)
    wait_write_static(2)


@jax.jit
def kernel(moe_output, scores, mapped_slots):
    idx = mapped_slots.astype(jnp.int32)
    idx2 = idx.reshape(-1, CHUNK_R)
    idx_pad = jnp.concatenate([idx2, idx2], axis=1).reshape(-1)

    mesh = plsc.VectorSubcoreMesh(core_axis_name="c", subcore_axis_name="s",
                                  num_cores=2, num_subcores=16)
    run = pl.kernel(
        _sc_body,
        out_type=jax.ShapeDtypeStruct((N_TOKENS, HIDDEN), jnp.float32),
        mesh=mesh,
        scratch_types=[
            pltpu.VMEM((IDXPAD_PER_WORKER,), jnp.int32),
            pltpu.VMEM((SLOT_PER_WORKER,), jnp.float32),
            pltpu.VMEM((NB, CHUNK_R, HIDDEN), jnp.float32),
            pltpu.VMEM((3, OUT_T, HIDDEN), jnp.float32),
            pltpu.SemaphoreType.DMA,
            pltpu.SemaphoreType.DMA,
            pltpu.SemaphoreType.DMA,
            pltpu.SemaphoreType.DMA,
            pltpu.SemaphoreType.DMA,
            pltpu.SemaphoreType.DMA,
            pltpu.SemaphoreType.DMA,
        ],
    )
    return run(moe_output, idx_pad, scores)

# --- scband reference (transcript-rebuilt; emitter-appended) ---
"""Pipeline reference for scband-mo-egather-44762149159144 (READ-ONLY COPY).

The authoritative reference and input builder live on the scoring server;
editing this copy changes nothing except your own understanding.
"""

import jax, jax.numpy as jnp
import numpy as np

TOP_K = 2
N_TOKENS = 8192
HIDDEN = 2048
N_SLOTS = N_TOKENS * TOP_K


def setup_inputs(seed: int = 0) -> dict:
    key = jax.random.key(seed)
    k1, k2, k3 = jax.random.split(key, 3)
    moe_output = jax.random.normal(k1, (N_SLOTS, HIDDEN), dtype=jnp.float32)
    scores = jax.random.uniform(k2, (N_SLOTS,), dtype=jnp.float32)
    mapped_slots = jax.random.randint(k3, (N_SLOTS,), 0, N_SLOTS, dtype=jnp.int64)
    return {"moe_output": moe_output, "scores": scores, "mapped_slots": mapped_slots}


def reference(moe_output, scores, mapped_slots):
    # MoE gather: for each token, gather its top_k expert-slot outputs,
    # scale by routing scores, and sum over the top_k dimension.
    hidden_size = moe_output.shape[-1]
    flat = moe_output.reshape(-1, hidden_size)
    gathered = jnp.take(flat, mapped_slots, axis=0)  # [n_tokens*top_k, hidden]
    weighted = gathered * scores[:, None]
    n_tokens = scores.shape[0] // TOP_K
    layer_output = weighted.reshape(n_tokens, TOP_K, hidden_size).sum(axis=1)
    return layer_output

if __name__ == "__main__":
    import jax
    _d = setup_inputs()
    print(jax.jit(kernel)(*tuple(_d.values())))

</pallas_src>

<mosaic_0001>
#map = affine_map<(d0, d1) -> (0, 0)>
#map1 = affine_map<(d0, d1) -> (0)>
module attributes {stable_mosaic.version = 14 : i64} {
  func.func @_sc_body(%arg0: i32, %arg1: i32, %arg2: memref<16384x2048xf32, #tpu.memory_space<hbm>>, %arg3: memref<32768xi32, #tpu.memory_space<hbm>>, %arg4: memref<16384xf32, #tpu.memory_space<hbm>>, %arg5: memref<8192x2048xf32, #tpu.memory_space<hbm>>, %arg6: memref<1024xi32, #tpu.memory_space<vmem>>, %arg7: memref<512xf32, #tpu.memory_space<vmem>>, %arg8: memref<4x4x2048xf32, #tpu.memory_space<vmem>>, %arg9: memref<3x4x2048xf32, #tpu.memory_space<vmem>>, %arg10: memref<!tpu.dma_semaphore, #tpu.memory_space<semaphore_mem>>, %arg11: memref<!tpu.dma_semaphore, #tpu.memory_space<semaphore_mem>>, %arg12: memref<!tpu.dma_semaphore, #tpu.memory_space<semaphore_mem>>, %arg13: memref<!tpu.dma_semaphore, #tpu.memory_space<semaphore_mem>>, %arg14: memref<!tpu.dma_semaphore, #tpu.memory_space<semaphore_mem>>, %arg15: memref<!tpu.dma_semaphore, #tpu.memory_space<semaphore_mem>>, %arg16: memref<!tpu.dma_semaphore, #tpu.memory_space<semaphore_mem>>) attributes {dimension_semantics = [#tpu.dimension_semantics<core_parallel>, #tpu.dimension_semantics<subcore_parallel>], iteration_bounds = array<i64: 2, 16>, scalar_prefetch = 0 : i64, scratch_operands = 11 : i64, tpu.core_type = #tpu.core_type<sc_vector_subcore>, window_params = [{transform_indices = #map}, {transform_indices = #map1}, {transform_indices = #map1}, {transform_indices = #map}]} {
    %mul3A = arith.constant 2 : i32
    %mul3A_0 = arith.muli %arg1, %mul3A : i32
    %add3A = arith.addi %mul3A_0, %arg0 : i32
    %mul3A_1 = arith.constant 512 : i32
    %mul3A_2 = arith.muli %add3A, %mul3A_1 : i32
    %mul3A_3 = arith.constant 256 : i32
    %mul3A_4 = arith.muli %add3A, %mul3A_3 : i32
    %mul3A_5 = arith.constant 1024 : i32
    %mul3A_6 = arith.muli %add3A, %mul3A_5 : i32
    "tpu.region"() ({
      %run_scoped3A = tpu.sem_alloc : memref<!tpu.dma_semaphore, #tpu.memory_space<semaphore_mem>>
      %dma_start3A_79 = tpu.memref_slice %arg3[%mul3A_6] : memref<32768xi32, #tpu.memory_space<hbm>> -> memref<1024xi32, #tpu.memory_space<hbm>>
      %dma_start3A_80 = tpu.memref_slice %arg3[%mul3A_6] : memref<32768xi32, #tpu.memory_space<hbm>> -> memref<1024xi32, #tpu.memory_space<hbm>>
      tpu.enqueue_dma source(%dma_start3A_80 : memref<1024xi32, #tpu.memory_space<hbm>>) target(%arg6 : memref<1024xi32, #tpu.memory_space<vmem>>) target_semaphore(%run_scoped3A : memref<!tpu.dma_semaphore, #tpu.memory_space<semaphore_mem>>)
      %dma_wait3A_81 = tpu.memref_slice %arg3[%mul3A_6] : memref<32768xi32, #tpu.memory_space<hbm>> -> memref<1024xi32, #tpu.memory_space<hbm>>
      %dma_wait3A_82 = tpu.memref_slice %arg3[%mul3A_6] : memref<32768xi32, #tpu.memory_space<hbm>> -> memref<1024xi32, #tpu.memory_space<hbm>>
      tpu.wait_dma2 semaphore(%run_scoped3A : memref<!tpu.dma_semaphore, #tpu.memory_space<semaphore_mem>>) src(%dma_wait3A_82 : memref<1024xi32, #tpu.memory_space<hbm>>) dst(%arg6 : memref<1024xi32, #tpu.memory_space<vmem>>)
      tpu.yield
    }) : () -> ()
    %dma_start3A = arith.constant 0 : i32
    %dma_start3A_7 = arith.constant 0 : i32
    %dma_start3A_8 = arith.constant 0 : i32
    %dma_start3A_9 = tpu.memref_slice %arg8[%dma_start3A, %dma_start3A_7, %dma_start3A_8] : memref<4x4x2048xf32, #tpu.memory_space<vmem>> -> memref<1x4x2048xf32, #tpu.memory_space<vmem>>
    %dma_start3A_10 = tpu.memref_squeeze %dma_start3A_9 : memref<1x4x2048xf32, #tpu.memory_space<vmem>> -> memref<4x2048xf32, #tpu.memory_space<vmem>>
    %dma_start3A_11 = arith.constant 0 : i32
    %dma_start3A_12 = tpu.memref_slice %arg6[%dma_start3A_11] : memref<1024xi32, #tpu.memory_space<vmem>> -> memref<4xi32, #tpu.memory_space<vmem>>
    %dma_start3A_13 = arith.constant 0 : i32
    %dma_start3A_14 = arith.constant 0 : i32
    %dma_start3A_15 = tpu.memref_slice %arg2[%dma_start3A_13, %dma_start3A_14] : memref<16384x2048xf32, #tpu.memory_space<hbm>> -> memref<16384x2048xf32, #tpu.memory_space<hbm>>
    tpu.enqueue_indirect_dma source(%dma_start3A_15 : memref<16384x2048xf32, #tpu.memory_space<hbm>>) target(%dma_start3A_10 : memref<4x2048xf32, #tpu.memory_space<vmem>>) offsets(%dma_start3A_12 : memref<4xi32, #tpu.memory_space<vmem>>) semaphore(%arg10 : memref<!tpu.dma_semaphore, #tpu.memory_space<semaphore_mem>>)
    %dma_start3A_16 = arith.constant 1 : i32
    %dma_start3A_17 = arith.constant 0 : i32
    %dma_start3A_18 = arith.constant 0 : i32
    %dma_start3A_19 = tpu.memref_slice %arg8[%dma_start3A_16, %dma_start3A_17, %dma_start3A_18] : memref<4x4x2048xf32, #tpu.memory_space<vmem>> -> memref<1x4x2048xf32, #tpu.memory_space<vmem>>
    %dma_start3A_20 = tpu.memref_squeeze %dma_start3A_19 : memref<1x4x2048xf32, #tpu.memory_space<vmem>> -> memref<4x2048xf32, #tpu.memory_space<vmem>>
    %dma_start3A_21 = arith.constant 8 : i32
    %dma_start3A_22 = tpu.memref_slice %arg6[%dma_start3A_21] : memref<1024xi32, #tpu.memory_space<vmem>> -> memref<4xi32, #tpu.memory_space<vmem>>
    %dma_start3A_23 = arith.constant 0 : i32
    %dma_start3A_24 = arith.constant 0 : i32
    %dma_start3A_25 = tpu.memref_slice %arg2[%dma_start3A_23, %dma_start3A_24] : memref<16384x2048xf32, #tpu.memory_space<hbm>> -> memref<16384x2048xf32, #tpu.memory_space<hbm>>
    tpu.enqueue_indirect_dma source(%dma_start3A_25 : memref<16384x2048xf32, #tpu.memory_space<hbm>>) target(%dma_start3A_20 : memref<4x2048xf32, #tpu.memory_space<vmem>>) offsets(%dma_start3A_22 : memref<4xi32, #tpu.memory_space<vmem>>) semaphore(%arg11 : memref<!tpu.dma_semaphore, #tpu.memory_space<semaphore_mem>>)
    %dma_start3A_26 = arith.constant 2 : i32
    %dma_start3A_27 = arith.constant 0 : i32
    %dma_start3A_28 = arith.constant 0 : i32
    %dma_start3A_29 = tpu.memref_slice %arg8[%dma_start3A_26, %dma_start3A_27, %dma_start3A_28] : memref<4x4x2048xf32, #tpu.memory_space<vmem>> -> memref<1x4x2048xf32, #tpu.memory_space<vmem>>
    %dma_start3A_30 = tpu.memref_squeeze %dma_start3A_29 : memref<1x4x2048xf32, #tpu.memory_space<vmem>> -> memref<4x2048xf32, #tpu.memory_space<vmem>>
    %dma_start3A_31 = arith.constant 16 : i32
    %dma_start3A_32 = tpu.memref_slice %arg6[%dma_start3A_31] : memref<1024xi32, #tpu.memory_space<vmem>> -> memref<4xi32, #tpu.memory_space<vmem>>
    %dma_start3A_33 = arith.constant 0 : i32
    %dma_start3A_34 = arith.constant 0 : i32
    %dma_start3A_35 = tpu.memref_slice %arg2[%dma_start3A_33, %dma_start3A_34] : memref<16384x2048xf32, #tpu.memory_space<hbm>> -> memref<16384x2048xf32, #tpu.memory_space<hbm>>
    tpu.enqueue_indirect_dma source(%dma_start3A_35 : memref<16384x2048xf32, #tpu.memory_space<hbm>>) target(%dma_start3A_30 : memref<4x2048xf32, #tpu.memory_space<vmem>>) offsets(%dma_start3A_32 : memref<4xi32, #tpu.memory_space<vmem>>) semaphore(%arg12 : memref<!tpu.dma_semaphore, #tpu.memory_space<semaphore_mem>>)
    "tpu.region"() ({
      %run_scoped3A = tpu.sem_alloc : memref<!tpu.dma_semaphore, #tpu.memory_space<semaphore_mem>>
      %dma_start3A_79 = tpu.memref_slice %arg4[%mul3A_2] : memref<16384xf32, #tpu.memory_space<hbm>> -> memref<512xf32, #tpu.memory_space<hbm>>
      %dma_start3A_80 = tpu.memref_slice %arg4[%mul3A_2] : memref<16384xf32, #tpu.memory_space<hbm>> -> memref<512xf32, #tpu.memory_space<hbm>>
      tpu.enqueue_dma source(%dma_start3A_80 : memref<512xf32, #tpu.memory_space<hbm>>) target(%arg7 : memref<512xf32, #tpu.memory_space<vmem>>) target_semaphore(%run_scoped3A : memref<!tpu.dma_semaphore, #tpu.memory_space<semaphore_mem>>)
      %dma_wait3A_81 = tpu.memref_slice %arg4[%mul3A_2] : memref<16384xf32, #tpu.memory_space<hbm>> -> memref<512xf32, #tpu.memory_space<hbm>>
      %dma_wait3A_82 = tpu.memref_slice %arg4[%mul3A_2] : memref<16384xf32, #tpu.memory_space<hbm>> -> memref<512xf32, #tpu.memory_space<hbm>>
      tpu.wait_dma2 semaphore(%run_scoped3A : memref<!tpu.dma_semaphore, #tpu.memory_space<semaphore_mem>>) src(%dma_wait3A_82 : memref<512xf32, #tpu.memory_space<hbm>>) dst(%arg7 : memref<512xf32, #tpu.memory_space<vmem>>)
      tpu.yield
    }) : () -> ()
    %scan3A = arith.constant 0 : i32
    %scan3A_36 = arith.constant 0 : i32
    %scan3A_37 = arith.constant 32 : i32
    %scan3A_38 = arith.addi %scan3A_36, %scan3A_37 : i32
    %scan3A_39 = arith.constant 1 : i32
    scf.for %scan3A_79 = %scan3A_36 to %scan3A_38 step %scan3A_39  : i32 {
      %mul3A_80 = arith.constant 4 : i32
      %mul3A_81 = arith.muli %mul3A_80, %scan3A_79 : i32
      %mul3A_82 = arith.constant 16 : i32
      %mul3A_83 = arith.muli %scan3A_79, %mul3A_82 : i32
      %get3A = arith.index_cast %mul3A_83 : i32 to index
      %get3A_84 = tpu.vector_load %arg7[%get3A] {strides = array<i32>} : memref<512xf32, #tpu.memory_space<vmem>>, vector<16xf32>,
      %get3A_85 = vector.shape_cast %get3A_84 : vector<16xf32> to vector<16xf32>
      %broadcast_in_dim3A = arith.constant 0 : i32
      %broadcast_in_dim3A_86 = vector.broadcast %broadcast_in_dim3A : i32 to vector<16x1xi32>
      %gather3A = vector.shape_cast %broadcast_in_dim3A_86 : vector<16x1xi32> to vector<16xi32>
      %gather3A_87 = tpu.dynamic_gather %get3A_85[%gather3A] in [0] : vector<16xf32>, vector<16xi32> -> vector<16xf32>
      %broadcast_in_dim3A_88 = arith.constant 1 : i32
      %broadcast_in_dim3A_89 = vector.broadcast %broadcast_in_dim3A_88 : i32 to vector<16x1xi32>
      %gather3A_90 = vector.shape_cast %broadcast_in_dim3A_89 : vector<16x1xi32> to vector<16xi32>
      %gather3A_91 = tpu.dynamic_gather %get3A_85[%gather3A_90] in [0] : vector<16xf32>, vector<16xi32> -> vector<16xf32>
      %broadcast_in_dim3A_92 = arith.constant 2 : i32
      %broadcast_in_dim3A_93 = vector.broadcast %broadcast_in_dim3A_92 : i32 to vector<16x1xi32>
      %gather3A_94 = vector.shape_cast %broadcast_in_dim3A_93 : vector<16x1xi32> to vector<16xi32>
      %gather3A_95 = tpu.dynamic_gather %get3A_85[%gather3A_94] in [0] : vector<16xf32>, vector<16xi32> -> vector<16xf32>
      %broadcast_in_dim3A_96 = arith.constant 3 : i32
      %broadcast_in_dim3A_97 = vector.broadcast %broadcast_in_dim3A_96 : i32 to vector<16x1xi32>
      %gather3A_98 = vector.shape_cast %broadcast_in_dim3A_97 : vector<16x1xi32> to vector<16xi32>
      %gather3A_99 = tpu.dynamic_gather %get3A_85[%gather3A_98] in [0] : vector<16xf32>, vector<16xi32> -> vector<16xf32>
      %broadcast_in_dim3A_100 = arith.constant 4 : i32
      %broadcast_in_dim3A_101 = vector.broadcast %broadcast_in_dim3A_100 : i32 to vector<16x1xi32>
      %gather3A_102 = vector.shape_cast %broadcast_in_dim3A_101 : vector<16x1xi32> to vector<16xi32>
      %gather3A_103 = tpu.dynamic_gather %get3A_85[%gather3A_102] in [0] : vector<16xf32>, vector<16xi32> -> vector<16xf32>
      %broadcast_in_dim3A_104 = arith.constant 5 : i32
      %broadcast_in_dim3A_105 = vector.broadcast %broadcast_in_dim3A_104 : i32 to vector<16x1xi32>
      %gather3A_106 = vector.shape_cast %broadcast_in_dim3A_105 : vector<16x1xi32> to vector<16xi32>
      %gather3A_107 = tpu.dynamic_gather %get3A_85[%gather3A_106] in [0] : vector<16xf32>, vector<16xi32> -> vector<16xf32>
      %broadcast_in_dim3A_108 = arith.constant 6 : i32
      %broadcast_in_dim3A_109 = vector.broadcast %broadcast_in_dim3A_108 : i32 to vector<16x1xi32>
      %gather3A_110 = vector.shape_cast %broadcast_in_dim3A_109 : vector<16x1xi32> to vector<16xi32>
      %gather3A_111 = tpu.dynamic_gather %get3A_85[%gather3A_110] in [0] : vector<16xf32>, vector<16xi32> -> vector<16xf32>
      %broadcast_in_dim3A_112 = arith.constant 7 : i32
      %broadcast_in_dim3A_113 = vector.broadcast %broadcast_in_dim3A_112 : i32 to vector<16x1xi32>
      %gather3A_114 = vector.shape_cast %broadcast_in_dim3A_113 : vector<16x1xi32> to vector<16xi32>
      %gather3A_115 = tpu.dynamic_gather %get3A_85[%gather3A_114] in [0] : vector<16xf32>, vector<16xi32> -> vector<16xf32>
      %broadcast_in_dim3A_116 = arith.constant 8 : i32
      %broadcast_in_dim3A_117 = vector.broadcast %broadcast_in_dim3A_116 : i32 to vector<16x1xi32>
      %gather3A_118 = vector.shape_cast %broadcast_in_dim3A_117 : vector<16x1xi32> to vector<16xi32>
      %gather3A_119 = tpu.dynamic_gather %get3A_85[%gather3A_118] in [0] : vector<16xf32>, vector<16xi32> -> vector<16xf32>
      %broadcast_in_dim3A_120 = arith.constant 9 : i32
      %broadcast_in_dim3A_121 = vector.broadcast %broadcast_in_dim3A_120 : i32 to vector<16x1xi32>
      %gather3A_122 = vector.shape_cast %broadcast_in_dim3A_121 : vector<16x1xi32> to vector<16xi32>
      %gather3A_123 = tpu.dynamic_gather %get3A_85[%gather3A_122] in [0] : vector<16xf32>, vector<16xi32> -> vector<16xf32>
      %broadcast_in_dim3A_124 = arith.constant 10 : i32
      %broadcast_in_dim3A_125 = vector.broadcast %broadcast_in_dim3A_124 : i32 to vector<16x1xi32>
      %gather3A_126 = vector.shape_cast %broadcast_in_dim3A_125 : vector<16x1xi32> to vector<16xi32>
      %gather3A_127 = tpu.dynamic_gather %get3A_85[%gather3A_126] in [0] : vector<16xf32>, vector<16xi32> -> vector<16xf32>
      %broadcast_in_dim3A_128 = arith.constant 11 : i32
      %broadcast_in_dim3A_129 = vector.broadcast %broadcast_in_dim3A_128 : i32 to vector<16x1xi32>
      %gather3A_130 = vector.shape_cast %broadcast_in_dim3A_129 : vector<16x1xi32> to vector<16xi32>
      %gather3A_131 = tpu.dynamic_gather %get3A_85[%gather3A_130] in [0] : vector<16xf32>, vector<16xi32> -> vector<16xf32>
      %broadcast_in_dim3A_132 = arith.constant 12 : i32
      %broadcast_in_dim3A_133 = vector.broadcast %broadcast_in_dim3A_132 : i32 to vector<16x1xi32>
      %gather3A_134 = vector.shape_cast %broadcast_in_dim3A_133 : vector<16x1xi32> to vector<16xi32>
      %gather3A_135 = tpu.dynamic_gather %get3A_85[%gather3A_134] in [0] : vector<16xf32>, vector<16xi32> -> vector<16xf32>
      %broadcast_in_dim3A_136 = arith.constant 13 : i32
      %broadcast_in_dim3A_137 = vector.broadcast %broadcast_in_dim3A_136 : i32 to vector<16x1xi32>
      %gather3A_138 = vector.shape_cast %broadcast_in_dim3A_137 : vector<16x1xi32> to vector<16xi32>
      %gather3A_139 = tpu.dynamic_gather %get3A_85[%gather3A_138] in [0] : vector<16xf32>, vector<16xi32> -> vector<16xf32>
      %broadcast_in_dim3A_140 = arith.constant 14 : i32
      %broadcast_in_dim3A_141 = vector.broadcast %broadcast_in_dim3A_140 : i32 to vector<16x1xi32>
      %gather3A_142 = vector.shape_cast %broadcast_in_dim3A_141 : vector<16x1xi32> to vector<16xi32>
      %gather3A_143 = tpu.dynamic_gather %get3A_85[%gather3A_142] in [0] : vector<16xf32>, vector<16xi32> -> vector<16xf32>
      %broadcast_in_dim3A_144 = arith.constant 15 : i32
      %broadcast_in_dim3A_145 = vector.broadcast %broadcast_in_dim3A_144 : i32 to vector<16x1xi32>
      %gather3A_146 = vector.shape_cast %broadcast_in_dim3A_145 : vector<16x1xi32> to vector<16xi32>
      %gather3A_147 = tpu.dynamic_gather %get3A_85[%gather3A_146] in [0] : vector<16xf32>, vector<16xi32> -> vector<16xf32>
      %add3A_148 = arith.constant 0 : i32
      %add3A_149 = arith.addi %mul3A_81, %add3A_148 : i32
      %mul3A_150 = arith.constant 2 : i32
      %mul3A_151 = arith.muli %mul3A_150, %scan3A_79 : i32
      %add3A_152 = arith.constant 0 : i32
      %add3A_153 = arith.addi %mul3A_151, %add3A_152 : i32
      %rem3A = arith.constant 3 : i32
      %rem3A_154 = arith.remsi %add3A_153, %rem3A : i32
      %mul3A_155 = arith.constant 8 : i32
      %mul3A_156 = arith.muli %add3A_149, %mul3A_155 : i32
      %dma_wait3A_157 = arith.constant 0 : i32
      %dma_wait3A_158 = arith.constant 0 : i32
      %dma_wait3A_159 = arith.constant 0 : i32
      %dma_wait3A_160 = tpu.memref_slice %arg8[%dma_wait3A_157, %dma_wait3A_158, %dma_wait3A_159] : memref<4x4x2048xf32, #tpu.memory_space<vmem>> -> memref<1x4x2048xf32, #tpu.memory_space<vmem>>
      %dma_wait3A_161 = tpu.memref_squeeze %dma_wait3A_160 : memref<1x4x2048xf32, #tpu.memory_space<vmem>> -> memref<4x2048xf32, #tpu.memory_space<vmem>>
      %dma_wait3A_162 = tpu.memref_slice %arg6[%mul3A_156] : memref<1024xi32, #tpu.memory_space<vmem>> -> memref<4xi32, #tpu.memory_space<vmem>>
      %dma_wait3A_163 = arith.constant 0 : i32
      %dma_wait3A_164 = arith.constant 0 : i32
      %dma_wait3A_165 = tpu.memref_slice %arg2[%dma_wait3A_163, %dma_wait3A_164] : memref<16384x2048xf32, #tpu.memory_space<hbm>> -> memref<16384x2048xf32, #tpu.memory_space<hbm>>
      tpu.wait_indirect_dma semaphore(%arg10 : memref<!tpu.dma_semaphore, #tpu.memory_space<semaphore_mem>>) src(%dma_wait3A_165 : memref<16384x2048xf32, #tpu.memory_space<hbm>>) dst(%dma_wait3A_161 : memref<4x2048xf32, #tpu.memory_space<vmem>>)
      %add3A_166 = arith.constant 3 : i32
      %add3A_167 = arith.addi %add3A_149, %add3A_166 : i32
      %lt3A = arith.constant 128 : i32
      %lt3A_168 = arith.cmpi slt, %add3A_167, %lt3A : i32
      %convert_element_type3A = arith.extui %lt3A_168 : i1 to i32
      %cond3A = arith.constant 0 : i32
      %cond3A_169 = arith.cmpi ne, %convert_element_type3A, %cond3A : i32
      scf.if %cond3A_169 {
        %add3A_297 = arith.constant 3 : i32
        %add3A_298 = arith.addi %add3A_149, %add3A_297 : i32
        %mul3A_299 = arith.constant 8 : i32
        %mul3A_300 = arith.muli %add3A_298, %mul3A_299 : i32
        %dma_start3A_301 = arith.constant 3 : i32
        %dma_start3A_302 = arith.constant 0 : i32
        %dma_start3A_303 = arith.constant 0 : i32
        %dma_start3A_304 = tpu.memref_slice %arg8[%dma_start3A_301, %dma_start3A_302, %dma_start3A_303] : memref<4x4x2048xf32, #tpu.memory_space<vmem>> -> memref<1x4x2048xf32, #tpu.memory_space<vmem>>
        %dma_start3A_305 = tpu.memref_squeeze %dma_start3A_304 : memref<1x4x2048xf32, #tpu.memory_space<vmem>> -> memref<4x2048xf32, #tpu.memory_space<vmem>>
        %dma_start3A_306 = tpu.memref_slice %arg6[%mul3A_300] : memref<1024xi32, #tpu.memory_space<vmem>> -> memref<4xi32, #tpu.memory_space<vmem>>
        %dma_start3A_307 = arith.constant 0 : i32
        %dma_start3A_308 = arith.constant 0 : i32
        %dma_start3A_309 = tpu.memref_slice %arg2[%dma_start3A_307, %dma_start3A_308] : memref<16384x2048xf32, #tpu.memory_space<hbm>> -> memref<16384x2048xf32, #tpu.memory_space<hbm>>
        tpu.enqueue_indirect_dma source(%dma_start3A_309 : memref<16384x2048xf32, #tpu.memory_space<hbm>>) target(%dma_start3A_305 : memref<4x2048xf32, #tpu.memory_space<vmem>>) offsets(%dma_start3A_306 : memref<4xi32, #tpu.memory_space<vmem>>) semaphore(%arg13 : memref<!tpu.dma_semaphore, #tpu.memory_space<semaphore_mem>>)
      } else {
      }
      %ge3A = arith.constant 3 : i32
      %ge3A_170 = arith.cmpi sge, %add3A_153, %ge3A : i32
      %convert_element_type3A_171 = arith.extui %ge3A_170 : i1 to i32
      %cond3A_172 = arith.constant 0 : i32
      %cond3A_173 = arith.cmpi ne, %convert_element_type3A_171, %cond3A_172 : i32
      scf.if %cond3A_173 {
        %eq3A_297 = arith.constant 0 : i32
        %eq3A_298 = arith.cmpi eq, %rem3A_154, %eq3A_297 : i32
        %convert_element_type3A_299 = arith.extui %eq3A_298 : i1 to i32
        %cond3A_300 = arith.constant 0 : i32
        %cond3A_301 = arith.cmpi ne, %convert_element_type3A_299, %cond3A_300 : i32
        scf.if %cond3A_301 {
          %dma_wait3A_312 = arith.constant 0 : i32
          %dma_wait3A_313 = arith.constant 0 : i32
          %dma_wait3A_314 = arith.constant 0 : i32
          %dma_wait3A_315 = tpu.memref_slice %arg9[%dma_wait3A_312, %dma_wait3A_313, %dma_wait3A_314] : memref<3x4x2048xf32, #tpu.memory_space<vmem>> -> memref<1x4x2048xf32, #tpu.memory_space<vmem>>
          %dma_wait3A_316 = tpu.memref_squeeze %dma_wait3A_315 : memref<1x4x2048xf32, #tpu.memory_space<vmem>> -> memref<4x2048xf32, #tpu.memory_space<vmem>>
          %dma_wait3A_317 = arith.constant 0 : i32
          %dma_wait3A_318 = tpu.memref_slice %arg5[%mul3A_4, %dma_wait3A_317] : memref<8192x2048xf32, #tpu.memory_space<hbm>> -> memref<4x2048xf32, #tpu.memory_space<hbm>>
          %dma_wait3A_319 = arith.constant 0 : i32
          %dma_wait3A_320 = tpu.memref_slice %arg5[%mul3A_4, %dma_wait3A_319] : memref<8192x2048xf32, #tpu.memory_space<hbm>> -> memref<4x2048xf32, #tpu.memory_space<hbm>>
          %dma_wait3A_321 = arith.constant 0 : i32
          %dma_wait3A_322 = arith.constant 0 : i32
          %dma_wait3A_323 = tpu.memref_slice %arg9[%dma_wait3A_312, %dma_wait3A_321, %dma_wait3A_322] : memref<3x4x2048xf32, #tpu.memory_space<vmem>> -> memref<1x4x2048xf32, #tpu.memory_space<vmem>>
          %dma_wait3A_324 = tpu.memref_squeeze %dma_wait3A_323 : memref<1x4x2048xf32, #tpu.memory_space<vmem>> -> memref<4x2048xf32, #tpu.memory_space<vmem>>
          tpu.wait_dma2 semaphore(%arg14 : memref<!tpu.dma_semaphore, #tpu.memory_space<semaphore_mem>>) src(%dma_wait3A_324 : memref<4x2048xf32, #tpu.memory_space<vmem>>) dst(%dma_wait3A_320 : memref<4x2048xf32, #tpu.memory_space<hbm>>)
        } else {
        }
        %eq3A_302 = arith.constant 1 : i32
        %eq3A_303 = arith.cmpi eq, %rem3A_154, %eq3A_302 : i32
        %convert_element_type3A_304 = arith.extui %eq3A_303 : i1 to i32
        %cond3A_305 = arith.constant 0 : i32
        %cond3A_306 = arith.cmpi ne, %convert_element_type3A_304, %cond3A_305 : i32
        scf.if %cond3A_306 {
          %dma_wait3A_312 = arith.constant 1 : i32
          %dma_wait3A_313 = arith.constant 0 : i32
          %dma_wait3A_314 = arith.constant 0 : i32
          %dma_wait3A_315 = tpu.memref_slice %arg9[%dma_wait3A_312, %dma_wait3A_313, %dma_wait3A_314] : memref<3x4x2048xf32, #tpu.memory_space<vmem>> -> memref<1x4x2048xf32, #tpu.memory_space<vmem>>
          %dma_wait3A_316 = tpu.memref_squeeze %dma_wait3A_315 : memref<1x4x2048xf32, #tpu.memory_space<vmem>> -> memref<4x2048xf32, #tpu.memory_space<vmem>>
          %dma_wait3A_317 = arith.constant 0 : i32
          %dma_wait3A_318 = tpu.memref_slice %arg5[%mul3A_4, %dma_wait3A_317] : memref<8192x2048xf32, #tpu.memory_space<hbm>> -> memref<4x2048xf32, #tpu.memory_space<hbm>>
          %dma_wait3A_319 = arith.constant 0 : i32
          %dma_wait3A_320 = tpu.memref_slice %arg5[%mul3A_4, %dma_wait3A_319] : memref<8192x2048xf32, #tpu.memory_space<hbm>> -> memref<4x2048xf32, #tpu.memory_space<hbm>>
          %dma_wait3A_321 = arith.constant 0 : i32
          %dma_wait3A_322 = arith.constant 0 : i32
          %dma_wait3A_323 = tpu.memref_slice %arg9[%dma_wait3A_312, %dma_wait3A_321, %dma_wait3A_322] : memref<3x4x2048xf32, #tpu.memory_space<vmem>> -> memref<1x4x2048xf32, #tpu.memory_space<vmem>>
          %dma_wait3A_324 = tpu.memref_squeeze %dma_wait3A_323 : memref<1x4x2048xf32, #tpu.memory_space<vmem>> -> memref<4x2048xf32, #tpu.memory_space<vmem>>
          tpu.wait_dma2 semaphore(%arg15 : memref<!tpu.dma_semaphore, #tpu.memory_space<semaphore_mem>>) src(%dma_wait3A_324 : memref<4x2048xf32, #tpu.memory_space<vmem>>) dst(%dma_wait3A_320 : memref<4x2048xf32, #tpu.memory_space<hbm>>)
        } else {
        }
        %eq3A_307 = arith.constant 2 : i32
        %eq3A_308 = arith.cmpi eq, %rem3A_154, %eq3A_307 : i32
        %convert_element_type3A_309 = arith.extui %eq3A_308 : i1 to i32
        %cond3A_310 = arith.constant 0 : i32
        %cond3A_311 = arith.cmpi ne, %convert_element_type3A_309, %cond3A_310 : i32
        scf.if %cond3A_311 {
          %dma_wait3A_312 = arith.constant 2 : i32
          %dma_wait3A_313 = arith.constant 0 : i32
          %dma_wait3A_314 = arith.constant 0 : i32
          %dma_wait3A_315 = tpu.memref_slice %arg9[%dma_wait3A_312, %dma_wait3A_313, %dma_wait3A_314] : memref<3x4x2048xf32, #tpu.memory_space<vmem>> -> memref<1x4x2048xf32, #tpu.memory_space<vmem>>
          %dma_wait3A_316 = tpu.memref_squeeze %dma_wait3A_315 : memref<1x4x2048xf32, #tpu.memory_space<vmem>> -> memref<4x2048xf32, #tpu.memory_space<vmem>>
          %dma_wait3A_317 = arith.constant 0 : i32
          %dma_wait3A_318 = tpu.memref_slice %arg5[%mul3A_4, %dma_wait3A_317] : memref<8192x2048xf32, #tpu.memory_space<hbm>> -> memref<4x2048xf32, #tpu.memory_space<hbm>>
          %dma_wait3A_319 = arith.constant 0 : i32
          %dma_wait3A_320 = tpu.memref_slice %arg5[%mul3A_4, %dma_wait3A_319] : memref<8192x2048xf32, #tpu.memory_space<hbm>> -> memref<4x2048xf32, #tpu.memory_space<hbm>>
          %dma_wait3A_321 = arith.constant 0 : i32
          %dma_wait3A_322 = arith.constant 0 : i32
          %dma_wait3A_323 = tpu.memref_slice %arg9[%dma_wait3A_312, %dma_wait3A_321, %dma_wait3A_322] : memref<3x4x2048xf32, #tpu.memory_space<vmem>> -> memref<1x4x2048xf32, #tpu.memory_space<vmem>>
          %dma_wait3A_324 = tpu.memref_squeeze %dma_wait3A_323 : memref<1x4x2048xf32, #tpu.memory_space<vmem>> -> memref<4x2048xf32, #tpu.memory_space<vmem>>
          tpu.wait_dma2 semaphore(%arg16 : memref<!tpu.dma_semaphore, #tpu.memory_space<semaphore_mem>>) src(%dma_wait3A_324 : memref<4x2048xf32, #tpu.memory_space<vmem>>) dst(%dma_wait3A_320 : memref<4x2048xf32, #tpu.memory_space<hbm>>)
        } else {
        }
      } else {
      }
      %parallel_loop3A = arith.constant 0 : i32
      %parallel_loop3A_174 = arith.constant 128 : i32
      %parallel_loop3A_175 = arith.constant 1 : i32
      scf.for %parallel_loop3A_297 = %parallel_loop3A to %parallel_loop3A_174 step %parallel_loop3A_175  : i32 {
        %parallel_loop3A_298 = arith.constant 16 : i32
        %parallel_loop3A_299 = arith.muli %parallel_loop3A_297, %parallel_loop3A_298 : i32
        %parallel_loop3A_300 = arith.constant 0 : i32
        %parallel_loop3A_301 = arith.constant 0 : i32
        %parallel_loop3A_302 = arith.index_cast %parallel_loop3A_300 : i32 to index
        %parallel_loop3A_303 = arith.index_cast %parallel_loop3A_301 : i32 to index
        %parallel_loop3A_304 = arith.index_cast %parallel_loop3A_299 : i32 to index
        %parallel_loop3A_305 = tpu.vector_load %arg8[%parallel_loop3A_302, %parallel_loop3A_303, %parallel_loop3A_304] {strides = array<i32>} : memref<4x4x2048xf32, #tpu.memory_space<vmem>>, vector<1x1x16xf32>,
        %parallel_loop3A_306 = vector.shape_cast %parallel_loop3A_305 : vector<1x1x16xf32> to vector<16xf32>
        %parallel_loop3A_307 = arith.constant 0 : i32
        %parallel_loop3A_308 = arith.constant 1 : i32
        %parallel_loop3A_309 = arith.index_cast %parallel_loop3A_307 : i32 to index
        %parallel_loop3A_310 = arith.index_cast %parallel_loop3A_308 : i32 to index
        %parallel_loop3A_311 = arith.index_cast %parallel_loop3A_299 : i32 to index
        %parallel_loop3A_312 = tpu.vector_load %arg8[%parallel_loop3A_309, %parallel_loop3A_310, %parallel_loop3A_311] {strides = array<i32>} : memref<4x4x2048xf32, #tpu.memory_space<vmem>>, vector<1x1x16xf32>,
        %parallel_loop3A_313 = vector.shape_cast %parallel_loop3A_312 : vector<1x1x16xf32> to vector<16xf32>
        %parallel_loop3A_314 = arith.mulf %gather3A_87, %parallel_loop3A_306 : vector<16xf32>
        %parallel_loop3A_315 = arith.mulf %gather3A_91, %parallel_loop3A_313 : vector<16xf32>
        %parallel_loop3A_316 = arith.addf %parallel_loop3A_314, %parallel_loop3A_315 : vector<16xf32>
        %parallel_loop3A_317 = arith.constant 0 : i32
        %parallel_loop3A_318 = arith.index_cast %rem3A_154 : i32 to index
        %parallel_loop3A_319 = arith.index_cast %parallel_loop3A_317 : i32 to index
        %parallel_loop3A_320 = arith.index_cast %parallel_loop3A_299 : i32 to index
        %parallel_loop3A_321 = tpu.vector_load %arg9[%parallel_loop3A_318, %parallel_loop3A_319, %parallel_loop3A_320] {strides = array<i32>} : memref<3x4x2048xf32, #tpu.memory_space<vmem>>, vector<1x1x16xf32>,
        %parallel_loop3A_322 = vector.shape_cast %parallel_loop3A_321 : vector<1x1x16xf32> to vector<16xf32>
        %parallel_loop3A_323 = vector.shape_cast %parallel_loop3A_316 : vector<16xf32> to vector<1x1x16xf32>
        tpu.vector_store %arg9[%parallel_loop3A_318, %parallel_loop3A_319, %parallel_loop3A_320], %parallel_loop3A_323 {strides = array<i32>} : memref<3x4x2048xf32, #tpu.memory_space<vmem>>, vector<1x1x16xf32>,
        %parallel_loop3A_324 = arith.constant 0 : i32
        %parallel_loop3A_325 = arith.constant 2 : i32
        %parallel_loop3A_326 = arith.index_cast %parallel_loop3A_324 : i32 to index
        %parallel_loop3A_327 = arith.index_cast %parallel_loop3A_325 : i32 to index
        %parallel_loop3A_328 = arith.index_cast %parallel_loop3A_299 : i32 to index
        %parallel_loop3A_329 = tpu.vector_load %arg8[%parallel_loop3A_326, %parallel_loop3A_327, %parallel_loop3A_328] {strides = array<i32>} : memref<4x4x2048xf32, #tpu.memory_space<vmem>>, vector<1x1x16xf32>,
        %parallel_loop3A_330 = vector.shape_cast %parallel_loop3A_329 : vector<1x1x16xf32> to vector<16xf32>
        %parallel_loop3A_331 = arith.constant 0 : i32
        %parallel_loop3A_332 = arith.constant 3 : i32
        %parallel_loop3A_333 = arith.index_cast %parallel_loop3A_331 : i32 to index
        %parallel_loop3A_334 = arith.index_cast %parallel_loop3A_332 : i32 to index
        %parallel_loop3A_335 = arith.index_cast %parallel_loop3A_299 : i32 to index
        %parallel_loop3A_336 = tpu.vector_load %arg8[%parallel_loop3A_333, %parallel_loop3A_334, %parallel_loop3A_335] {strides = array<i32>} : memref<4x4x2048xf32, #tpu.memory_space<vmem>>, vector<1x1x16xf32>,
        %parallel_loop3A_337 = vector.shape_cast %parallel_loop3A_336 : vector<1x1x16xf32> to vector<16xf32>
        %parallel_loop3A_338 = arith.mulf %gather3A_95, %parallel_loop3A_330 : vector<16xf32>
        %parallel_loop3A_339 = arith.mulf %gather3A_99, %parallel_loop3A_337 : vector<16xf32>
        %parallel_loop3A_340 = arith.addf %parallel_loop3A_338, %parallel_loop3A_339 : vector<16xf32>
        %parallel_loop3A_341 = arith.constant 1 : i32
        %parallel_loop3A_342 = arith.index_cast %rem3A_154 : i32 to index
        %parallel_loop3A_343 = arith.index_cast %parallel_loop3A_341 : i32 to index
        %parallel_loop3A_344 = arith.index_cast %parallel_loop3A_299 : i32 to index
        %parallel_loop3A_345 = tpu.vector_load %arg9[%parallel_loop3A_342, %parallel_loop3A_343, %parallel_loop3A_344] {strides = array<i32>} : memref<3x4x2048xf32, #tpu.memory_space<vmem>>, vector<1x1x16xf32>,
        %parallel_loop3A_346 = vector.shape_cast %parallel_loop3A_345 : vector<1x1x16xf32> to vector<16xf32>
        %parallel_loop3A_347 = vector.shape_cast %parallel_loop3A_340 : vector<16xf32> to vector<1x1x16xf32>
        tpu.vector_store %arg9[%parallel_loop3A_342, %parallel_loop3A_343, %parallel_loop3A_344], %parallel_loop3A_347 {strides = array<i32>} : memref<3x4x2048xf32, #tpu.memory_space<vmem>>, vector<1x1x16xf32>,
      } {sc.loop_unroll_factor = 8 : i64, sc.parallel_access}
      %add3A_176 = arith.constant 1 : i32
      %add3A_177 = arith.addi %mul3A_81, %add3A_176 : i32
      %mul3A_178 = arith.constant 2 : i32
      %mul3A_179 = arith.muli %mul3A_178, %scan3A_79 : i32
      %add3A_180 = arith.constant 0 : i32
      %add3A_181 = arith.addi %mul3A_179, %add3A_180 : i32
      %rem3A_182 = arith.constant 3 : i32
      %rem3A_183 = arith.remsi %add3A_181, %rem3A_182 : i32
      %mul3A_184 = arith.constant 8 : i32
      %mul3A_185 = arith.muli %add3A_177, %mul3A_184 : i32
      %dma_wait3A_186 = arith.constant 1 : i32
      %dma_wait3A_187 = arith.constant 0 : i32
      %dma_wait3A_188 = arith.constant 0 : i32
      %dma_wait3A_189 = tpu.memref_slice %arg8[%dma_wait3A_186, %dma_wait3A_187, %dma_wait3A_188] : memref<4x4x2048xf32, #tpu.memory_space<vmem>> -> memref<1x4x2048xf32, #tpu.memory_space<vmem>>
      %dma_wait3A_190 = tpu.memref_squeeze %dma_wait3A_189 : memref<1x4x2048xf32, #tpu.memory_space<vmem>> -> memref<4x2048xf32, #tpu.memory_space<vmem>>
      %dma_wait3A_191 = tpu.memref_slice %arg6[%mul3A_185] : memref<1024xi32, #tpu.memory_space<vmem>> -> memref<4xi32, #tpu.memory_space<vmem>>
      %dma_wait3A_192 = arith.constant 0 : i32
      %dma_wait3A_193 = arith.constant 0 : i32
      %dma_wait3A_194 = tpu.memref_slice %arg2[%dma_wait3A_192, %dma_wait3A_193] : memref<16384x2048xf32, #tpu.memory_space<hbm>> -> memref<16384x2048xf32, #tpu.memory_space<hbm>>
      tpu.wait_indirect_dma semaphore(%arg11 : memref<!tpu.dma_semaphore, #tpu.memory_space<semaphore_mem>>) src(%dma_wait3A_194 : memref<16384x2048xf32, #tpu.memory_space<hbm>>) dst(%dma_wait3A_190 : memref<4x2048xf32, #tpu.memory_space<vmem>>)
      %add3A_195 = arith.constant 3 : i32
      %add3A_196 = arith.addi %add3A_177, %add3A_195 : i32
      %lt3A_197 = arith.constant 128 : i32
      %lt3A_198 = arith.cmpi slt, %add3A_196, %lt3A_197 : i32
      %convert_element_type3A_199 = arith.extui %lt3A_198 : i1 to i32
      %cond3A_200 = arith.constant 0 : i32
      %cond3A_201 = arith.cmpi ne, %convert_element_type3A_199, %cond3A_200 : i32
      scf.if %cond3A_201 {
        %add3A_297 = arith.constant 3 : i32
        %add3A_298 = arith.addi %add3A_177, %add3A_297 : i32
        %mul3A_299 = arith.constant 8 : i32
        %mul3A_300 = arith.muli %add3A_298, %mul3A_299 : i32
        %dma_start3A_301 = arith.constant 0 : i32
        %dma_start3A_302 = arith.constant 0 : i32
        %dma_start3A_303 = arith.constant 0 : i32
        %dma_start3A_304 = tpu.memref_slice %arg8[%dma_start3A_301, %dma_start3A_302, %dma_start3A_303] : memref<4x4x2048xf32, #tpu.memory_space<vmem>> -> memref<1x4x2048xf32, #tpu.memory_space<vmem>>
        %dma_start3A_305 = tpu.memref_squeeze %dma_start3A_304 : memref<1x4x2048xf32, #tpu.memory_space<vmem>> -> memref<4x2048xf32, #tpu.memory_space<vmem>>
        %dma_start3A_306 = tpu.memref_slice %arg6[%mul3A_300] : memref<1024xi32, #tpu.memory_space<vmem>> -> memref<4xi32, #tpu.memory_space<vmem>>
        %dma_start3A_307 = arith.constant 0 : i32
        %dma_start3A_308 = arith.constant 0 : i32
        %dma_start3A_309 = tpu.memref_slice %arg2[%dma_start3A_307, %dma_start3A_308] : memref<16384x2048xf32, #tpu.memory_space<hbm>> -> memref<16384x2048xf32, #tpu.memory_space<hbm>>
        tpu.enqueue_indirect_dma source(%dma_start3A_309 : memref<16384x2048xf32, #tpu.memory_space<hbm>>) target(%dma_start3A_305 : memref<4x2048xf32, #tpu.memory_space<vmem>>) offsets(%dma_start3A_306 : memref<4xi32, #tpu.memory_space<vmem>>) semaphore(%arg10 : memref<!tpu.dma_semaphore, #tpu.memory_space<semaphore_mem>>)
      } else {
      }
      %parallel_loop3A_202 = arith.constant 0 : i32
      %parallel_loop3A_203 = arith.constant 128 : i32
      %parallel_loop3A_204 = arith.constant 1 : i32
      scf.for %parallel_loop3A_297 = %parallel_loop3A_202 to %parallel_loop3A_203 step %parallel_loop3A_204  : i32 {
        %parallel_loop3A_298 = arith.constant 16 : i32
        %parallel_loop3A_299 = arith.muli %parallel_loop3A_297, %parallel_loop3A_298 : i32
        %parallel_loop3A_300 = arith.constant 1 : i32
        %parallel_loop3A_301 = arith.constant 0 : i32
        %parallel_loop3A_302 = arith.index_cast %parallel_loop3A_300 : i32 to index
        %parallel_loop3A_303 = arith.index_cast %parallel_loop3A_301 : i32 to index
        %parallel_loop3A_304 = arith.index_cast %parallel_loop3A_299 : i32 to index
        %parallel_loop3A_305 = tpu.vector_load %arg8[%parallel_loop3A_302, %parallel_loop3A_303, %parallel_loop3A_304] {strides = array<i32>} : memref<4x4x2048xf32, #tpu.memory_space<vmem>>, vector<1x1x16xf32>,
        %parallel_loop3A_306 = vector.shape_cast %parallel_loop3A_305 : vector<1x1x16xf32> to vector<16xf32>
        %parallel_loop3A_307 = arith.constant 1 : i32
        %parallel_loop3A_308 = arith.constant 1 : i32
        %parallel_loop3A_309 = arith.index_cast %parallel_loop3A_307 : i32 to index
        %parallel_loop3A_310 = arith.index_cast %parallel_loop3A_308 : i32 to index
        %parallel_loop3A_311 = arith.index_cast %parallel_loop3A_299 : i32 to index
        %parallel_loop3A_312 = tpu.vector_load %arg8[%parallel_loop3A_309, %parallel_loop3A_310, %parallel_loop3A_311] {strides = array<i32>} : memref<4x4x2048xf32, #tpu.memory_space<vmem>>, vector<1x1x16xf32>,
        %parallel_loop3A_313 = vector.shape_cast %parallel_loop3A_312 : vector<1x1x16xf32> to vector<16xf32>
        %parallel_loop3A_314 = arith.mulf %gather3A_103, %parallel_loop3A_306 : vector<16xf32>
        %parallel_loop3A_315 = arith.mulf %gather3A_107, %parallel_loop3A_313 : vector<16xf32>
        %parallel_loop3A_316 = arith.addf %parallel_loop3A_314, %parallel_loop3A_315 : vector<16xf32>
        %parallel_loop3A_317 = arith.constant 2 : i32
        %parallel_loop3A_318 = arith.index_cast %rem3A_183 : i32 to index
        %parallel_loop3A_319 = arith.index_cast %parallel_loop3A_317 : i32 to index
        %parallel_loop3A_320 = arith.index_cast %parallel_loop3A_299 : i32 to index
        %parallel_loop3A_321 = tpu.vector_load %arg9[%parallel_loop3A_318, %parallel_loop3A_319, %parallel_loop3A_320] {strides = array<i32>} : memref<3x4x2048xf32, #tpu.memory_space<vmem>>, vector<1x1x16xf32>,
        %parallel_loop3A_322 = vector.shape_cast %parallel_loop3A_321 : vector<1x1x16xf32> to vector<16xf32>
        %parallel_loop3A_323 = vector.shape_cast %parallel_loop3A_316 : vector<16xf32> to vector<1x1x16xf32>
        tpu.vector_store %arg9[%parallel_loop3A_318, %parallel_loop3A_319, %parallel_loop3A_320], %parallel_loop3A_323 {strides = array<i32>} : memref<3x4x2048xf32, #tpu.memory_space<vmem>>, vector<1x1x16xf32>,
        %parallel_loop3A_324 = arith.constant 1 : i32
        %parallel_loop3A_325 = arith.constant 2 : i32
        %parallel_loop3A_326 = arith.index_cast %parallel_loop3A_324 : i32 to index
        %parallel_loop3A_327 = arith.index_cast %parallel_loop3A_325 : i32 to index
        %parallel_loop3A_328 = arith.index_cast %parallel_loop3A_299 : i32 to index
        %parallel_loop3A_329 = tpu.vector_load %arg8[%parallel_loop3A_326, %parallel_loop3A_327, %parallel_loop3A_328] {strides = array<i32>} : memref<4x4x2048xf32, #tpu.memory_space<vmem>>, vector<1x1x16xf32>,
        %parallel_loop3A_330 = vector.shape_cast %parallel_loop3A_329 : vector<1x1x16xf32> to vector<16xf32>
        %parallel_loop3A_331 = arith.constant 1 : i32
        %parallel_loop3A_332 = arith.constant 3 : i32
        %parallel_loop3A_333 = arith.index_cast %parallel_loop3A_331 : i32 to index
        %parallel_loop3A_334 = arith.index_cast %parallel_loop3A_332 : i32 to index
        %parallel_loop3A_335 = arith.index_cast %parallel_loop3A_299 : i32 to index
        %parallel_loop3A_336 = tpu.vector_load %arg8[%parallel_loop3A_333, %parallel_loop3A_334, %parallel_loop3A_335] {strides = array<i32>} : memref<4x4x2048xf32, #tpu.memory_space<vmem>>, vector<1x1x16xf32>,
        %parallel_loop3A_337 = vector.shape_cast %parallel_loop3A_336 : vector<1x1x16xf32> to vector<16xf32>
        %parallel_loop3A_338 = arith.mulf %gather3A_111, %parallel_loop3A_330 : vector<16xf32>
        %parallel_loop3A_339 = arith.mulf %gather3A_115, %parallel_loop3A_337 : vector<16xf32>
        %parallel_loop3A_340 = arith.addf %parallel_loop3A_338, %parallel_loop3A_339 : vector<16xf32>
        %parallel_loop3A_341 = arith.constant 3 : i32
        %parallel_loop3A_342 = arith.index_cast %rem3A_183 : i32 to index
        %parallel_loop3A_343 = arith.index_cast %parallel_loop3A_341 : i32 to index
        %parallel_loop3A_344 = arith.index_cast %parallel_loop3A_299 : i32 to index
        %parallel_loop3A_345 = tpu.vector_load %arg9[%parallel_loop3A_342, %parallel_loop3A_343, %parallel_loop3A_344] {strides = array<i32>} : memref<3x4x2048xf32, #tpu.memory_space<vmem>>, vector<1x1x16xf32>,
        %parallel_loop3A_346 = vector.shape_cast %parallel_loop3A_345 : vector<1x1x16xf32> to vector<16xf32>
        %parallel_loop3A_347 = vector.shape_cast %parallel_loop3A_340 : vector<16xf32> to vector<1x1x16xf32>
        tpu.vector_store %arg9[%parallel_loop3A_342, %parallel_loop3A_343, %parallel_loop3A_344], %parallel_loop3A_347 {strides = array<i32>} : memref<3x4x2048xf32, #tpu.memory_space<vmem>>, vector<1x1x16xf32>,
      } {sc.loop_unroll_factor = 8 : i64, sc.parallel_access}
      %eq3A = arith.constant 0 : i32
      %eq3A_205 = arith.cmpi eq, %rem3A_183, %eq3A : i32
      %convert_element_type3A_206 = arith.extui %eq3A_205 : i1 to i32
      %cond3A_207 = arith.constant 0 : i32
      %cond3A_208 = arith.cmpi ne, %convert_element_type3A_206, %cond3A_207 : i32
      scf.if %cond3A_208 {
        %mul3A_297 = arith.constant 4 : i32
        %mul3A_298 = arith.muli %add3A_181, %mul3A_297 : i32
        %add3A_299 = arith.addi %mul3A_4, %mul3A_298 : i32
        %dma_start3A_300 = arith.constant 0 : i32
        %dma_start3A_301 = arith.constant 0 : i32
        %dma_start3A_302 = arith.constant 0 : i32
        %dma_start3A_303 = tpu.memref_slice %arg9[%dma_start3A_300, %dma_start3A_301, %dma_start3A_302] : memref<3x4x2048xf32, #tpu.memory_space<vmem>> -> memref<1x4x2048xf32, #tpu.memory_space<vmem>>
        %dma_start3A_304 = tpu.memref_squeeze %dma_start3A_303 : memref<1x4x2048xf32, #tpu.memory_space<vmem>> -> memref<4x2048xf32, #tpu.memory_space<vmem>>
        %dma_start3A_305 = arith.constant 0 : i32
        %dma_start3A_306 = tpu.memref_slice %arg5[%add3A_299, %dma_start3A_305] : memref<8192x2048xf32, #tpu.memory_space<hbm>> -> memref<4x2048xf32, #tpu.memory_space<hbm>>
        %dma_start3A_307 = arith.constant 0 : i32
        %dma_start3A_308 = tpu.memref_slice %arg5[%add3A_299, %dma_start3A_307] : memref<8192x2048xf32, #tpu.memory_space<hbm>> -> memref<4x2048xf32, #tpu.memory_space<hbm>>
        %dma_start3A_309 = arith.constant 0 : i32
        %dma_start3A_310 = arith.constant 0 : i32
        %dma_start3A_311 = tpu.memref_slice %arg9[%dma_start3A_300, %dma_start3A_309, %dma_start3A_310] : memref<3x4x2048xf32, #tpu.memory_space<vmem>> -> memref<1x4x2048xf32, #tpu.memory_space<vmem>>
        %dma_start3A_312 = tpu.memref_squeeze %dma_start3A_311 : memref<1x4x2048xf32, #tpu.memory_space<vmem>> -> memref<4x2048xf32, #tpu.memory_space<vmem>>
        tpu.enqueue_dma source(%dma_start3A_312 : memref<4x2048xf32, #tpu.memory_space<vmem>>) target(%dma_start3A_308 : memref<4x2048xf32, #tpu.memory_space<hbm>>) target_semaphore(%arg14 : memref<!tpu.dma_semaphore, #tpu.memory_space<semaphore_mem>>)
      } else {
      }
      %eq3A_209 = arith.constant 1 : i32
      %eq3A_210 = arith.cmpi eq, %rem3A_183, %eq3A_209 : i32
      %convert_element_type3A_211 = arith.extui %eq3A_210 : i1 to i32
      %cond3A_212 = arith.constant 0 : i32
      %cond3A_213 = arith.cmpi ne, %convert_element_type3A_211, %cond3A_212 : i32
      scf.if %cond3A_213 {
        %mul3A_297 = arith.constant 4 : i32
        %mul3A_298 = arith.muli %add3A_181, %mul3A_297 : i32
        %add3A_299 = arith.addi %mul3A_4, %mul3A_298 : i32
        %dma_start3A_300 = arith.constant 1 : i32
        %dma_start3A_301 = arith.constant 0 : i32
        %dma_start3A_302 = arith.constant 0 : i32
        %dma_start3A_303 = tpu.memref_slice %arg9[%dma_start3A_300, %dma_start3A_301, %dma_start3A_302] : memref<3x4x2048xf32, #tpu.memory_space<vmem>> -> memref<1x4x2048xf32, #tpu.memory_space<vmem>>
        %dma_start3A_304 = tpu.memref_squeeze %dma_start3A_303 : memref<1x4x2048xf32, #tpu.memory_space<vmem>> -> memref<4x2048xf32, #tpu.memory_space<vmem>>
        %dma_start3A_305 = arith.constant 0 : i32
        %dma_start3A_306 = tpu.memref_slice %arg5[%add3A_299, %dma_start3A_305] : memref<8192x2048xf32, #tpu.memory_space<hbm>> -> memref<4x2048xf32, #tpu.memory_space<hbm>>
        %dma_start3A_307 = arith.constant 0 : i32
        %dma_start3A_308 = tpu.memref_slice %arg5[%add3A_299, %dma_start3A_307] : memref<8192x2048xf32, #tpu.memory_space<hbm>> -> memref<4x2048xf32, #tpu.memory_space<hbm>>
        %dma_start3A_309 = arith.constant 0 : i32
        %dma_start3A_310 = arith.constant 0 : i32
        %dma_start3A_311 = tpu.memref_slice %arg9[%dma_start3A_300, %dma_start3A_309, %dma_start3A_310] : memref<3x4x2048xf32, #tpu.memory_space<vmem>> -> memref<1x4x2048xf32, #tpu.memory_space<vmem>>
        %dma_start3A_312 = tpu.memref_squeeze %dma_start3A_311 : memref<1x4x2048xf32, #tpu.memory_space<vmem>> -> memref<4x2048xf32, #tpu.memory_space<vmem>>
        tpu.enqueue_dma source(%dma_start3A_312 : memref<4x2048xf32, #tpu.memory_space<vmem>>) target(%dma_start3A_308 : memref<4x2048xf32, #tpu.memory_space<hbm>>) target_semaphore(%arg15 : memref<!tpu.dma_semaphore, #tpu.memory_space<semaphore_mem>>)
      } else {
      }
      %eq3A_214 = arith.constant 2 : i32
      %eq3A_215 = arith.cmpi eq, %rem3A_183, %eq3A_214 : i32
      %convert_element_type3A_216 = arith.extui %eq3A_215 : i1 to i32
      %cond3A_217 = arith.constant 0 : i32
      %cond3A_218 = arith.cmpi ne, %convert_element_type3A_216, %cond3A_217 : i32
      scf.if %cond3A_218 {
        %mul3A_297 = arith.constant 4 : i32
        %mul3A_298 = arith.muli %add3A_181, %mul3A_297 : i32
        %add3A_299 = arith.addi %mul3A_4, %mul3A_298 : i32
        %dma_start3A_300 = arith.constant 2 : i32
        %dma_start3A_301 = arith.constant 0 : i32
        %dma_start3A_302 = arith.constant 0 : i32
        %dma_start3A_303 = tpu.memref_slice %arg9[%dma_start3A_300, %dma_start3A_301, %dma_start3A_302] : memref<3x4x2048xf32, #tpu.memory_space<vmem>> -> memref<1x4x2048xf32, #tpu.memory_space<vmem>>
        %dma_start3A_304 = tpu.memref_squeeze %dma_start3A_303 : memref<1x4x2048xf32, #tpu.memory_space<vmem>> -> memref<4x2048xf32, #tpu.memory_space<vmem>>
        %dma_start3A_305 = arith.constant 0 : i32
        %dma_start3A_306 = tpu.memref_slice %arg5[%add3A_299, %dma_start3A_305] : memref<8192x2048xf32, #tpu.memory_space<hbm>> -> memref<4x2048xf32, #tpu.memory_space<hbm>>
        %dma_start3A_307 = arith.constant 0 : i32
        %dma_start3A_308 = tpu.memref_slice %arg5[%add3A_299, %dma_start3A_307] : memref<8192x2048xf32, #tpu.memory_space<hbm>> -> memref<4x2048xf32, #tpu.memory_space<hbm>>
        %dma_start3A_309 = arith.constant 0 : i32
        %dma_start3A_310 = arith.constant 0 : i32
        %dma_start3A_311 = tpu.memref_slice %arg9[%dma_start3A_300, %dma_start3A_309, %dma_start3A_310] : memref<3x4x2048xf32, #tpu.memory_space<vmem>> -> memref<1x4x2048xf32, #tpu.memory_space<vmem>>
        %dma_start3A_312 = tpu.memref_squeeze %dma_start3A_311 : memref<1x4x2048xf32, #tpu.memory_space<vmem>> -> memref<4x2048xf32, #tpu.memory_space<vmem>>
        tpu.enqueue_dma source(%dma_start3A_312 : memref<4x2048xf32, #tpu.memory_space<vmem>>) target(%dma_start3A_308 : memref<4x2048xf32, #tpu.memory_space<hbm>>) target_semaphore(%arg16 : memref<!tpu.dma_semaphore, #tpu.memory_space<semaphore_mem>>)
      } else {
      }
      %add3A_219 = arith.constant 2 : i32
      %add3A_220 = arith.addi %mul3A_81, %add3A_219 : i32
      %mul3A_221 = arith.constant 2 : i32
      %mul3A_222 = arith.muli %mul3A_221, %scan3A_79 : i32
      %add3A_223 = arith.constant 1 : i32
      %add3A_224 = arith.addi %mul3A_222, %add3A_223 : i32
      %rem3A_225 = arith.constant 3 : i32
      %rem3A_226 = arith.remsi %add3A_224, %rem3A_225 : i32
      %mul3A_227 = arith.constant 8 : i32
      %mul3A_228 = arith.muli %add3A_220, %mul3A_227 : i32
      %dma_wait3A_229 = arith.constant 2 : i32
      %dma_wait3A_230 = arith.constant 0 : i32
      %dma_wait3A_231 = arith.constant 0 : i32
      %dma_wait3A_232 = tpu.memref_slice %arg8[%dma_wait3A_229, %dma_wait3A_230, %dma_wait3A_231] : memref<4x4x2048xf32, #tpu.memory_space<vmem>> -> memref<1x4x2048xf32, #tpu.memory_space<vmem>>
      %dma_wait3A_233 = tpu.memref_squeeze %dma_wait3A_232 : memref<1x4x2048xf32, #tpu.memory_space<vmem>> -> memref<4x2048xf32, #tpu.memory_space<vmem>>
      %dma_wait3A_234 = tpu.memref_slice %arg6[%mul3A_228] : memref<1024xi32, #tpu.memory_space<vmem>> -> memref<4xi32, #tpu.memory_space<vmem>>
      %dma_wait3A_235 = arith.constant 0 : i32
      %dma_wait3A_236 = arith.constant 0 : i32
      %dma_wait3A_237 = tpu.memref_slice %arg2[%dma_wait3A_235, %dma_wait3A_236] : memref<16384x2048xf32, #tpu.memory_space<hbm>> -> memref<16384x2048xf32, #tpu.memory_space<hbm>>
      tpu.wait_indirect_dma semaphore(%arg12 : memref<!tpu.dma_semaphore, #tpu.memory_space<semaphore_mem>>) src(%dma_wait3A_237 : memref<16384x2048xf32, #tpu.memory_space<hbm>>) dst(%dma_wait3A_233 : memref<4x2048xf32, #tpu.memory_space<vmem>>)
      %add3A_238 = arith.constant 3 : i32
      %add3A_239 = arith.addi %add3A_220, %add3A_238 : i32
      %lt3A_240 = arith.constant 128 : i32
      %lt3A_241 = arith.cmpi slt, %add3A_239, %lt3A_240 : i32
      %convert_element_type3A_242 = arith.extui %lt3A_241 : i1 to i32
      %cond3A_243 = arith.constant 0 : i32
      %cond3A_244 = arith.cmpi ne, %convert_element_type3A_242, %cond3A_243 : i32
      scf.if %cond3A_244 {
        %add3A_297 = arith.constant 3 : i32
        %add3A_298 = arith.addi %add3A_220, %add3A_297 : i32
        %mul3A_299 = arith.constant 8 : i32
        %mul3A_300 = arith.muli %add3A_298, %mul3A_299 : i32
        %dma_start3A_301 = arith.constant 1 : i32
        %dma_start3A_302 = arith.constant 0 : i32
        %dma_start3A_303 = arith.constant 0 : i32
        %dma_start3A_304 = tpu.memref_slice %arg8[%dma_start3A_301, %dma_start3A_302, %dma_start3A_303] : memref<4x4x2048xf32, #tpu.memory_space<vmem>> -> memref<1x4x2048xf32, #tpu.memory_space<vmem>>
        %dma_start3A_305 = tpu.memref_squeeze %dma_start3A_304 : memref<1x4x2048xf32, #tpu.memory_space<vmem>> -> memref<4x2048xf32, #tpu.memory_space<vmem>>
        %dma_start3A_306 = tpu.memref_slice %arg6[%mul3A_300] : memref<1024xi32, #tpu.memory_space<vmem>> -> memref<4xi32, #tpu.memory_space<vmem>>
        %dma_start3A_307 = arith.constant 0 : i32
        %dma_start3A_308 = arith.constant 0 : i32
        %dma_start3A_309 = tpu.memref_slice %arg2[%dma_start3A_307, %dma_start3A_308] : memref<16384x2048xf32, #tpu.memory_space<hbm>> -> memref<16384x2048xf32, #tpu.memory_space<hbm>>
        tpu.enqueue_indirect_dma source(%dma_start3A_309 : memref<16384x2048xf32, #tpu.memory_space<hbm>>) target(%dma_start3A_305 : memref<4x2048xf32, #tpu.memory_space<vmem>>) offsets(%dma_start3A_306 : memref<4xi32, #tpu.memory_space<vmem>>) semaphore(%arg11 : memref<!tpu.dma_semaphore, #tpu.memory_space<semaphore_mem>>)
      } else {
      }
      %ge3A_245 = arith.constant 3 : i32
      %ge3A_246 = arith.cmpi sge, %add3A_224, %ge3A_245 : i32
      %convert_element_type3A_247 = arith.extui %ge3A_246 : i1 to i32
      %cond3A_248 = arith.constant 0 : i32
      %cond3A_249 = arith.cmpi ne, %convert_element_type3A_247, %cond3A_248 : i32
      scf.if %cond3A_249 {
        %eq3A_297 = arith.constant 0 : i32
        %eq3A_298 = arith.cmpi eq, %rem3A_226, %eq3A_297 : i32
        %convert_element_type3A_299 = arith.extui %eq3A_298 : i1 to i32
        %cond3A_300 = arith.constant 0 : i32
        %cond3A_301 = arith.cmpi ne, %convert_element_type3A_299, %cond3A_300 : i32
        scf.if %cond3A_301 {
          %dma_wait3A_312 = arith.constant 0 : i32
          %dma_wait3A_313 = arith.constant 0 : i32
          %dma_wait3A_314 = arith.constant 0 : i32
          %dma_wait3A_315 = tpu.memref_slice %arg9[%dma_wait3A_312, %dma_wait3A_313, %dma_wait3A_314] : memref<3x4x2048xf32, #tpu.memory_space<vmem>> -> memref<1x4x2048xf32, #tpu.memory_space<vmem>>
          %dma_wait3A_316 = tpu.memref_squeeze %dma_wait3A_315 : memref<1x4x2048xf32, #tpu.memory_space<vmem>> -> memref<4x2048xf32, #tpu.memory_space<vmem>>
          %dma_wait3A_317 = arith.constant 0 : i32
          %dma_wait3A_318 = tpu.memref_slice %arg5[%mul3A_4, %dma_wait3A_317] : memref<8192x2048xf32, #tpu.memory_space<hbm>> -> memref<4x2048xf32, #tpu.memory_space<hbm>>
          %dma_wait3A_319 = arith.constant 0 : i32
          %dma_wait3A_320 = tpu.memref_slice %arg5[%mul3A_4, %dma_wait3A_319] : memref<8192x2048xf32, #tpu.memory_space<hbm>> -> memref<4x2048xf32, #tpu.memory_space<hbm>>
          %dma_wait3A_321 = arith.constant 0 : i32
          %dma_wait3A_322 = arith.constant 0 : i32
          %dma_wait3A_323 = tpu.memref_slice %arg9[%dma_wait3A_312, %dma_wait3A_321, %dma_wait3A_322] : memref<3x4x2048xf32, #tpu.memory_space<vmem>> -> memref<1x4x2048xf32, #tpu.memory_space<vmem>>
          %dma_wait3A_324 = tpu.memref_squeeze %dma_wait3A_323 : memref<1x4x2048xf32, #tpu.memory_space<vmem>> -> memref<4x2048xf32, #tpu.memory_space<vmem>>
          tpu.wait_dma2 semaphore(%arg14 : memref<!tpu.dma_semaphore, #tpu.memory_space<semaphore_mem>>) src(%dma_wait3A_324 : memref<4x2048xf32, #tpu.memory_space<vmem>>) dst(%dma_wait3A_320 : memref<4x2048xf32, #tpu.memory_space<hbm>>)
        } else {
        }
        %eq3A_302 = arith.constant 1 : i32
        %eq3A_303 = arith.cmpi eq, %rem3A_226, %eq3A_302 : i32
        %convert_element_type3A_304 = arith.extui %eq3A_303 : i1 to i32
        %cond3A_305 = arith.constant 0 : i32
        %cond3A_306 = arith.cmpi ne, %convert_element_type3A_304, %cond3A_305 : i32
        scf.if %cond3A_306 {
          %dma_wait3A_312 = arith.constant 1 : i32
          %dma_wait3A_313 = arith.constant 0 : i32
          %dma_wait3A_314 = arith.constant 0 : i32
          %dma_wait3A_315 = tpu.memref_slice %arg9[%dma_wait3A_312, %dma_wait3A_313, %dma_wait3A_314] : memref<3x4x2048xf32, #tpu.memory_space<vmem>> -> memref<1x4x2048xf32, #tpu.memory_space<vmem>>
          %dma_wait3A_316 = tpu.memref_squeeze %dma_wait3A_315 : memref<1x4x2048xf32, #tpu.memory_space<vmem>> -> memref<4x2048xf32, #tpu.memory_space<vmem>>
          %dma_wait3A_317 = arith.constant 0 : i32
          %dma_wait3A_318 = tpu.memref_slice %arg5[%mul3A_4, %dma_wait3A_317] : memref<8192x2048xf32, #tpu.memory_space<hbm>> -> memref<4x2048xf32, #tpu.memory_space<hbm>>
          %dma_wait3A_319 = arith.constant 0 : i32
          %dma_wait3A_320 = tpu.memref_slice %arg5[%mul3A_4, %dma_wait3A_319] : memref<8192x2048xf32, #tpu.memory_space<hbm>> -> memref<4x2048xf32, #tpu.memory_space<hbm>>
          %dma_wait3A_321 = arith.constant 0 : i32
          %dma_wait3A_322 = arith.constant 0 : i32
          %dma_wait3A_323 = tpu.memref_slice %arg9[%dma_wait3A_312, %dma_wait3A_321, %dma_wait3A_322] : memref<3x4x2048xf32, #tpu.memory_space<vmem>> -> memref<1x4x2048xf32, #tpu.memory_space<vmem>>
          %dma_wait3A_324 = tpu.memref_squeeze %dma_wait3A_323 : memref<1x4x2048xf32, #tpu.memory_space<vmem>> -> memref<4x2048xf32, #tpu.memory_space<vmem>>
          tpu.wait_dma2 semaphore(%arg15 : memref<!tpu.dma_semaphore, #tpu.memory_space<semaphore_mem>>) src(%dma_wait3A_324 : memref<4x2048xf32, #tpu.memory_space<vmem>>) dst(%dma_wait3A_320 : memref<4x2048xf32, #tpu.memory_space<hbm>>)
        } else {
        }
        %eq3A_307 = arith.constant 2 : i32
        %eq3A_308 = arith.cmpi eq, %rem3A_226, %eq3A_307 : i32
        %convert_element_type3A_309 = arith.extui %eq3A_308 : i1 to i32
        %cond3A_310 = arith.constant 0 : i32
        %cond3A_311 = arith.cmpi ne, %convert_element_type3A_309, %cond3A_310 : i32
        scf.if %cond3A_311 {
          %dma_wait3A_312 = arith.constant 2 : i32
          %dma_wait3A_313 = arith.constant 0 : i32
          %dma_wait3A_314 = arith.constant 0 : i32
          %dma_wait3A_315 = tpu.memref_slice %arg9[%dma_wait3A_312, %dma_wait3A_313, %dma_wait3A_314] : memref<3x4x2048xf32, #tpu.memory_space<vmem>> -> memref<1x4x2048xf32, #tpu.memory_space<vmem>>
          %dma_wait3A_316 = tpu.memref_squeeze %dma_wait3A_315 : memref<1x4x2048xf32, #tpu.memory_space<vmem>> -> memref<4x2048xf32, #tpu.memory_space<vmem>>
          %dma_wait3A_317 = arith.constant 0 : i32
          %dma_wait3A_318 = tpu.memref_slice %arg5[%mul3A_4, %dma_wait3A_317] : memref<8192x2048xf32, #tpu.memory_space<hbm>> -> memref<4x2048xf32, #tpu.memory_space<hbm>>
          %dma_wait3A_319 = arith.constant 0 : i32
          %dma_wait3A_320 = tpu.memref_slice %arg5[%mul3A_4, %dma_wait3A_319] : memref<8192x2048xf32, #tpu.memory_space<hbm>> -> memref<4x2048xf32, #tpu.memory_space<hbm>>
          %dma_wait3A_321 = arith.constant 0 : i32
          %dma_wait3A_322 = arith.constant 0 : i32
          %dma_wait3A_323 = tpu.memref_slice %arg9[%dma_wait3A_312, %dma_wait3A_321, %dma_wait3A_322] : memref<3x4x2048xf32, #tpu.memory_space<vmem>> -> memref<1x4x2048xf32, #tpu.memory_space<vmem>>
          %dma_wait3A_324 = tpu.memref_squeeze %dma_wait3A_323 : memref<1x4x2048xf32, #tpu.memory_space<vmem>> -> memref<4x2048xf32, #tpu.memory_space<vmem>>
          tpu.wait_dma2 semaphore(%arg16 : memref<!tpu.dma_semaphore, #tpu.memory_space<semaphore_mem>>) src(%dma_wait3A_324 : memref<4x2048xf32, #tpu.memory_space<vmem>>) dst(%dma_wait3A_320 : memref<4x2048xf32, #tpu.memory_space<hbm>>)
        } else {
        }
      } else {
      }
      %parallel_loop3A_250 = arith.constant 0 : i32
      %parallel_loop3A_251 = arith.constant 128 : i32
      %parallel_loop3A_252 = arith.constant 1 : i32
      scf.for %parallel_loop3A_297 = %parallel_loop3A_250 to %parallel_loop3A_251 step %parallel_loop3A_252  : i32 {
        %parallel_loop3A_298 = arith.constant 16 : i32
        %parallel_loop3A_299 = arith.muli %parallel_loop3A_297, %parallel_loop3A_298 : i32
        %parallel_loop3A_300 = arith.constant 2 : i32
        %parallel_loop3A_301 = arith.constant 0 : i32
        %parallel_loop3A_302 = arith.index_cast %parallel_loop3A_300 : i32 to index
        %parallel_loop3A_303 = arith.index_cast %parallel_loop3A_301 : i32 to index
        %parallel_loop3A_304 = arith.index_cast %parallel_loop3A_299 : i32 to index
        %parallel_loop3A_305 = tpu.vector_load %arg8[%parallel_loop3A_302, %parallel_loop3A_303, %parallel_loop3A_304] {strides = array<i32>} : memref<4x4x2048xf32, #tpu.memory_space<vmem>>, vector<1x1x16xf32>,
        %parallel_loop3A_306 = vector.shape_cast %parallel_loop3A_305 : vector<1x1x16xf32> to vector<16xf32>
        %parallel_loop3A_307 = arith.constant 2 : i32
        %parallel_loop3A_308 = arith.constant 1 : i32
        %parallel_loop3A_309 = arith.index_cast %parallel_loop3A_307 : i32 to index
        %parallel_loop3A_310 = arith.index_cast %parallel_loop3A_308 : i32 to index
        %parallel_loop3A_311 = arith.index_cast %parallel_loop3A_299 : i32 to index
        %parallel_loop3A_312 = tpu.vector_load %arg8[%parallel_loop3A_309, %parallel_loop3A_310, %parallel_loop3A_311] {strides = array<i32>} : memref<4x4x2048xf32, #tpu.memory_space<vmem>>, vector<1x1x16xf32>,
        %parallel_loop3A_313 = vector.shape_cast %parallel_loop3A_312 : vector<1x1x16xf32> to vector<16xf32>
        %parallel_loop3A_314 = arith.mulf %gather3A_119, %parallel_loop3A_306 : vector<16xf32>
        %parallel_loop3A_315 = arith.mulf %gather3A_123, %parallel_loop3A_313 : vector<16xf32>
        %parallel_loop3A_316 = arith.addf %parallel_loop3A_314, %parallel_loop3A_315 : vector<16xf32>
        %parallel_loop3A_317 = arith.constant 0 : i32
        %parallel_loop3A_318 = arith.index_cast %rem3A_226 : i32 to index
        %parallel_loop3A_319 = arith.index_cast %parallel_loop3A_317 : i32 to index
        %parallel_loop3A_320 = arith.index_cast %parallel_loop3A_299 : i32 to index
        %parallel_loop3A_321 = tpu.vector_load %arg9[%parallel_loop3A_318, %parallel_loop3A_319, %parallel_loop3A_320] {strides = array<i32>} : memref<3x4x2048xf32, #tpu.memory_space<vmem>>, vector<1x1x16xf32>,
        %parallel_loop3A_322 = vector.shape_cast %parallel_loop3A_321 : vector<1x1x16xf32> to vector<16xf32>
        %parallel_loop3A_323 = vector.shape_cast %parallel_loop3A_316 : vector<16xf32> to vector<1x1x16xf32>
        tpu.vector_store %arg9[%parallel_loop3A_318, %parallel_loop3A_319, %parallel_loop3A_320], %parallel_loop3A_323 {strides = array<i32>} : memref<3x4x2048xf32, #tpu.memory_space<vmem>>, vector<1x1x16xf32>,
        %parallel_loop3A_324 = arith.constant 2 : i32
        %parallel_loop3A_325 = arith.constant 2 : i32
        %parallel_loop3A_326 = arith.index_cast %parallel_loop3A_324 : i32 to index
        %parallel_loop3A_327 = arith.index_cast %parallel_loop3A_325 : i32 to index
        %parallel_loop3A_328 = arith.index_cast %parallel_loop3A_299 : i32 to index
        %parallel_loop3A_329 = tpu.vector_load %arg8[%parallel_loop3A_326, %parallel_loop3A_327, %parallel_loop3A_328] {strides = array<i32>} : memref<4x4x2048xf32, #tpu.memory_space<vmem>>, vector<1x1x16xf32>,
        %parallel_loop3A_330 = vector.shape_cast %parallel_loop3A_329 : vector<1x1x16xf32> to vector<16xf32>
        %parallel_loop3A_331 = arith.constant 2 : i32
        %parallel_loop3A_332 = arith.constant 3 : i32
        %parallel_loop3A_333 = arith.index_cast %parallel_loop3A_331 : i32 to index
        %parallel_loop3A_334 = arith.index_cast %parallel_loop3A_332 : i32 to index
        %parallel_loop3A_335 = arith.index_cast %parallel_loop3A_299 : i32 to index
        %parallel_loop3A_336 = tpu.vector_load %arg8[%parallel_loop3A_333, %parallel_loop3A_334, %parallel_loop3A_335] {strides = array<i32>} : memref<4x4x2048xf32, #tpu.memory_space<vmem>>, vector<1x1x16xf32>,
        %parallel_loop3A_337 = vector.shape_cast %parallel_loop3A_336 : vector<1x1x16xf32> to vector<16xf32>
        %parallel_loop3A_338 = arith.mulf %gather3A_127, %parallel_loop3A_330 : vector<16xf32>
        %parallel_loop3A_339 = arith.mulf %gather3A_131, %parallel_loop3A_337 : vector<16xf32>
        %parallel_loop3A_340 = arith.addf %parallel_loop3A_338, %parallel_loop3A_339 : vector<16xf32>
        %parallel_loop3A_341 = arith.constant 1 : i32
        %parallel_loop3A_342 = arith.index_cast %rem3A_226 : i32 to index
        %parallel_loop3A_343 = arith.index_cast %parallel_loop3A_341 : i32 to index
        %parallel_loop3A_344 = arith.index_cast %parallel_loop3A_299 : i32 to index
        %parallel_loop3A_345 = tpu.vector_load %arg9[%parallel_loop3A_342, %parallel_loop3A_343, %parallel_loop3A_344] {strides = array<i32>} : memref<3x4x2048xf32, #tpu.memory_space<vmem>>, vector<1x1x16xf32>,
        %parallel_loop3A_346 = vector.shape_cast %parallel_loop3A_345 : vector<1x1x16xf32> to vector<16xf32>
        %parallel_loop3A_347 = vector.shape_cast %parallel_loop3A_340 : vector<16xf32> to vector<1x1x16xf32>
        tpu.vector_store %arg9[%parallel_loop3A_342, %parallel_loop3A_343, %parallel_loop3A_344], %parallel_loop3A_347 {strides = array<i32>} : memref<3x4x2048xf32, #tpu.memory_space<vmem>>, vector<1x1x16xf32>,
      } {sc.loop_unroll_factor = 8 : i64, sc.parallel_access}
      %add3A_253 = arith.constant 3 : i32
      %add3A_254 = arith.addi %mul3A_81, %add3A_253 : i32
      %mul3A_255 = arith.constant 2 : i32
      %mul3A_256 = arith.muli %mul3A_255, %scan3A_79 : i32
      %add3A_257 = arith.constant 1 : i32
      %add3A_258 = arith.addi %mul3A_256, %add3A_257 : i32
      %rem3A_259 = arith.constant 3 : i32
      %rem3A_260 = arith.remsi %add3A_258, %rem3A_259 : i32
      %mul3A_261 = arith.constant 8 : i32
      %mul3A_262 = arith.muli %add3A_254, %mul3A_261 : i32
      %dma_wait3A_263 = arith.constant 3 : i32
      %dma_wait3A_264 = arith.constant 0 : i32
      %dma_wait3A_265 = arith.constant 0 : i32
      %dma_wait3A_266 = tpu.memref_slice %arg8[%dma_wait3A_263, %dma_wait3A_264, %dma_wait3A_265] : memref<4x4x2048xf32, #tpu.memory_space<vmem>> -> memref<1x4x2048xf32, #tpu.memory_space<vmem>>
      %dma_wait3A_267 = tpu.memref_squeeze %dma_wait3A_266 : memref<1x4x2048xf32, #tpu.memory_space<vmem>> -> memref<4x2048xf32, #tpu.memory_space<vmem>>
      %dma_wait3A_268 = tpu.memref_slice %arg6[%mul3A_262] : memref<1024xi32, #tpu.memory_space<vmem>> -> memref<4xi32, #tpu.memory_space<vmem>>
      %dma_wait3A_269 = arith.constant 0 : i32
      %dma_wait3A_270 = arith.constant 0 : i32
      %dma_wait3A_271 = tpu.memref_slice %arg2[%dma_wait3A_269, %dma_wait3A_270] : memref<16384x2048xf32, #tpu.memory_space<hbm>> -> memref<16384x2048xf32, #tpu.memory_space<hbm>>
      tpu.wait_indirect_dma semaphore(%arg13 : memref<!tpu.dma_semaphore, #tpu.memory_space<semaphore_mem>>) src(%dma_wait3A_271 : memref<16384x2048xf32, #tpu.memory_space<hbm>>) dst(%dma_wait3A_267 : memref<4x2048xf32, #tpu.memory_space<vmem>>)
      %add3A_272 = arith.constant 3 : i32
      %add3A_273 = arith.addi %add3A_254, %add3A_272 : i32
      %lt3A_274 = arith.constant 128 : i32
      %lt3A_275 = arith.cmpi slt, %add3A_273, %lt3A_274 : i32
      %convert_element_type3A_276 = arith.extui %lt3A_275 : i1 to i32
      %cond3A_277 = arith.constant 0 : i32
      %cond3A_278 = arith.cmpi ne, %convert_element_type3A_276, %cond3A_277 : i32
      scf.if %cond3A_278 {
        %add3A_297 = arith.constant 3 : i32
        %add3A_298 = arith.addi %add3A_254, %add3A_297 : i32
        %mul3A_299 = arith.constant 8 : i32
        %mul3A_300 = arith.muli %add3A_298, %mul3A_299 : i32
        %dma_start3A_301 = arith.constant 2 : i32
        %dma_start3A_302 = arith.constant 0 : i32
        %dma_start3A_303 = arith.constant 0 : i32
        %dma_start3A_304 = tpu.memref_slice %arg8[%dma_start3A_301, %dma_start3A_302, %dma_start3A_303] : memref<4x4x2048xf32, #tpu.memory_space<vmem>> -> memref<1x4x2048xf32, #tpu.memory_space<vmem>>
        %dma_start3A_305 = tpu.memref_squeeze %dma_start3A_304 : memref<1x4x2048xf32, #tpu.memory_space<vmem>> -> memref<4x2048xf32, #tpu.memory_space<vmem>>
        %dma_start3A_306 = tpu.memref_slice %arg6[%mul3A_300] : memref<1024xi32, #tpu.memory_space<vmem>> -> memref<4xi32, #tpu.memory_space<vmem>>
        %dma_start3A_307 = arith.constant 0 : i32
        %dma_start3A_308 = arith.constant 0 : i32
        %dma_start3A_309 = tpu.memref_slice %arg2[%dma_start3A_307, %dma_start3A_308] : memref<16384x2048xf32, #tpu.memory_space<hbm>> -> memref<16384x2048xf32, #tpu.memory_space<hbm>>
        tpu.enqueue_indirect_dma source(%dma_start3A_309 : memref<16384x2048xf32, #tpu.memory_space<hbm>>) target(%dma_start3A_305 : memref<4x2048xf32, #tpu.memory_space<vmem>>) offsets(%dma_start3A_306 : memref<4xi32, #tpu.memory_space<vmem>>) semaphore(%arg12 : memref<!tpu.dma_semaphore, #tpu.memory_space<semaphore_mem>>)
      } else {
      }
      %parallel_loop3A_279 = arith.constant 0 : i32
      %parallel_loop3A_280 = arith.constant 128 : i32
      %parallel_loop3A_281 = arith.constant 1 : i32
      scf.for %parallel_loop3A_297 = %parallel_loop3A_279 to %parallel_loop3A_280 step %parallel_loop3A_281  : i32 {
        %parallel_loop3A_298 = arith.constant 16 : i32
        %parallel_loop3A_299 = arith.muli %parallel_loop3A_297, %parallel_loop3A_298 : i32
        %parallel_loop3A_300 = arith.constant 3 : i32
        %parallel_loop3A_301 = arith.constant 0 : i32
        %parallel_loop3A_302 = arith.index_cast %parallel_loop3A_300 : i32 to index
        %parallel_loop3A_303 = arith.index_cast %parallel_loop3A_301 : i32 to index
        %parallel_loop3A_304 = arith.index_cast %parallel_loop3A_299 : i32 to index
        %parallel_loop3A_305 = tpu.vector_load %arg8[%parallel_loop3A_302, %parallel_loop3A_303, %parallel_loop3A_304] {strides = array<i32>} : memref<4x4x2048xf32, #tpu.memory_space<vmem>>, vector<1x1x16xf32>,
        %parallel_loop3A_306 = vector.shape_cast %parallel_loop3A_305 : vector<1x1x16xf32> to vector<16xf32>
        %parallel_loop3A_307 = arith.constant 3 : i32
        %parallel_loop3A_308 = arith.constant 1 : i32
        %parallel_loop3A_309 = arith.index_cast %parallel_loop3A_307 : i32 to index
        %parallel_loop3A_310 = arith.index_cast %parallel_loop3A_308 : i32 to index
        %parallel_loop3A_311 = arith.index_cast %parallel_loop3A_299 : i32 to index
        %parallel_loop3A_312 = tpu.vector_load %arg8[%parallel_loop3A_309, %parallel_loop3A_310, %parallel_loop3A_311] {strides = array<i32>} : memref<4x4x2048xf32, #tpu.memory_space<vmem>>, vector<1x1x16xf32>,
        %parallel_loop3A_313 = vector.shape_cast %parallel_loop3A_312 : vector<1x1x16xf32> to vector<16xf32>
        %parallel_loop3A_314 = arith.mulf %gather3A_135, %parallel_loop3A_306 : vector<16xf32>
        %parallel_loop3A_315 = arith.mulf %gather3A_139, %parallel_loop3A_313 : vector<16xf32>
        %parallel_loop3A_316 = arith.addf %parallel_loop3A_314, %parallel_loop3A_315 : vector<16xf32>
        %parallel_loop3A_317 = arith.constant 2 : i32
        %parallel_loop3A_318 = arith.index_cast %rem3A_260 : i32 to index
        %parallel_loop3A_319 = arith.index_cast %parallel_loop3A_317 : i32 to index
        %parallel_loop3A_320 = arith.index_cast %parallel_loop3A_299 : i32 to index
        %parallel_loop3A_321 = tpu.vector_load %arg9[%parallel_loop3A_318, %parallel_loop3A_319, %parallel_loop3A_320] {strides = array<i32>} : memref<3x4x2048xf32, #tpu.memory_space<vmem>>, vector<1x1x16xf32>,
        %parallel_loop3A_322 = vector.shape_cast %parallel_loop3A_321 : vector<1x1x16xf32> to vector<16xf32>
        %parallel_loop3A_323 = vector.shape_cast %parallel_loop3A_316 : vector<16xf32> to vector<1x1x16xf32>
        tpu.vector_store %arg9[%parallel_loop3A_318, %parallel_loop3A_319, %parallel_loop3A_320], %parallel_loop3A_323 {strides = array<i32>} : memref<3x4x2048xf32, #tpu.memory_space<vmem>>, vector<1x1x16xf32>,
        %parallel_loop3A_324 = arith.constant 3 : i32
        %parallel_loop3A_325 = arith.constant 2 : i32
        %parallel_loop3A_326 = arith.index_cast %parallel_loop3A_324 : i32 to index
        %parallel_loop3A_327 = arith.index_cast %parallel_loop3A_325 : i32 to index
        %parallel_loop3A_328 = arith.index_cast %parallel_loop3A_299 : i32 to index
        %parallel_loop3A_329 = tpu.vector_load %arg8[%parallel_loop3A_326, %parallel_loop3A_327, %parallel_loop3A_328] {strides = array<i32>} : memref<4x4x2048xf32, #tpu.memory_space<vmem>>, vector<1x1x16xf32>,
        %parallel_loop3A_330 = vector.shape_cast %parallel_loop3A_329 : vector<1x1x16xf32> to vector<16xf32>
        %parallel_loop3A_331 = arith.constant 3 : i32
        %parallel_loop3A_332 = arith.constant 3 : i32
        %parallel_loop3A_333 = arith.index_cast %parallel_loop3A_331 : i32 to index
        %parallel_loop3A_334 = arith.index_cast %parallel_loop3A_332 : i32 to index
        %parallel_loop3A_335 = arith.index_cast %parallel_loop3A_299 : i32 to index
        %parallel_loop3A_336 = tpu.vector_load %arg8[%parallel_loop3A_333, %parallel_loop3A_334, %parallel_loop3A_335] {strides = array<i32>} : memref<4x4x2048xf32, #tpu.memory_space<vmem>>, vector<1x1x16xf32>,
        %parallel_loop3A_337 = vector.shape_cast %parallel_loop3A_336 : vector<1x1x16xf32> to vector<16xf32>
        %parallel_loop3A_338 = arith.mulf %gather3A_143, %parallel_loop3A_330 : vector<16xf32>
        %parallel_loop3A_339 = arith.mulf %gather3A_147, %parallel_loop3A_337 : vector<16xf32>
        %parallel_loop3A_340 = arith.addf %parallel_loop3A_338, %parallel_loop3A_339 : vector<16xf32>
        %parallel_loop3A_341 = arith.constant 3 : i32
        %parallel_loop3A_342 = arith.index_cast %rem3A_260 : i32 to index
        %parallel_loop3A_343 = arith.index_cast %parallel_loop3A_341 : i32 to index
        %parallel_loop3A_344 = arith.index_cast %parallel_loop3A_299 : i32 to index
        %parallel_loop3A_345 = tpu.vector_load %arg9[%parallel_loop3A_342, %parallel_loop3A_343, %parallel_loop3A_344] {strides = array<i32>} : memref<3x4x2048xf32, #tpu.memory_space<vmem>>, vector<1x1x16xf32>,
        %parallel_loop3A_346 = vector.shape_cast %parallel_loop3A_345 : vector<1x1x16xf32> to vector<16xf32>
        %parallel_loop3A_347 = vector.shape_cast %parallel_loop3A_340 : vector<16xf32> to vector<1x1x16xf32>
        tpu.vector_store %arg9[%parallel_loop3A_342, %parallel_loop3A_343, %parallel_loop3A_344], %parallel_loop3A_347 {strides = array<i32>} : memref<3x4x2048xf32, #tpu.memory_space<vmem>>, vector<1x1x16xf32>,
      } {sc.loop_unroll_factor = 8 : i64, sc.parallel_access}
      %eq3A_282 = arith.constant 0 : i32
      %eq3A_283 = arith.cmpi eq, %rem3A_260, %eq3A_282 : i32
      %convert_element_type3A_284 = arith.extui %eq3A_283 : i1 to i32
      %cond3A_285 = arith.constant 0 : i32
      %cond3A_286 = arith.cmpi ne, %convert_element_type3A_284, %cond3A_285 : i32
      scf.if %cond3A_286 {
        %mul3A_297 = arith.constant 4 : i32
        %mul3A_298 = arith.muli %add3A_258, %mul3A_297 : i32
        %add3A_299 = arith.addi %mul3A_4, %mul3A_298 : i32
        %dma_start3A_300 = arith.constant 0 : i32
        %dma_start3A_301 = arith.constant 0 : i32
        %dma_start3A_302 = arith.constant 0 : i32
        %dma_start3A_303 = tpu.memref_slice %arg9[%dma_start3A_300, %dma_start3A_301, %dma_start3A_302] : memref<3x4x2048xf32, #tpu.memory_space<vmem>> -> memref<1x4x2048xf32, #tpu.memory_space<vmem>>
        %dma_start3A_304 = tpu.memref_squeeze %dma_start3A_303 : memref<1x4x2048xf32, #tpu.memory_space<vmem>> -> memref<4x2048xf32, #tpu.memory_space<vmem>>
        %dma_start3A_305 = arith.constant 0 : i32
        %dma_start3A_306 = tpu.memref_slice %arg5[%add3A_299, %dma_start3A_305] : memref<8192x2048xf32, #tpu.memory_space<hbm>> -> memref<4x2048xf32, #tpu.memory_space<hbm>>
        %dma_start3A_307 = arith.constant 0 : i32
        %dma_start3A_308 = tpu.memref_slice %arg5[%add3A_299, %dma_start3A_307] : memref<8192x2048xf32, #tpu.memory_space<hbm>> -> memref<4x2048xf32, #tpu.memory_space<hbm>>
        %dma_start3A_309 = arith.constant 0 : i32
        %dma_start3A_310 = arith.constant 0 : i32
        %dma_start3A_311 = tpu.memref_slice %arg9[%dma_start3A_300, %dma_start3A_309, %dma_start3A_310] : memref<3x4x2048xf32, #tpu.memory_space<vmem>> -> memref<1x4x2048xf32, #tpu.memory_space<vmem>>
        %dma_start3A_312 = tpu.memref_squeeze %dma_start3A_311 : memref<1x4x2048xf32, #tpu.memory_space<vmem>> -> memref<4x2048xf32, #tpu.memory_space<vmem>>
        tpu.enqueue_dma source(%dma_start3A_312 : memref<4x2048xf32, #tpu.memory_space<vmem>>) target(%dma_start3A_308 : memref<4x2048xf32, #tpu.memory_space<hbm>>) target_semaphore(%arg14 : memref<!tpu.dma_semaphore, #tpu.memory_space<semaphore_mem>>)
      } else {
      }
      %eq3A_287 = arith.constant 1 : i32
      %eq3A_288 = arith.cmpi eq, %rem3A_260, %eq3A_287 : i32
      %convert_element_type3A_289 = arith.extui %eq3A_288 : i1 to i32
      %cond3A_290 = arith.constant 0 : i32
      %cond3A_291 = arith.cmpi ne, %convert_element_type3A_289, %cond3A_290 : i32
      scf.if %cond3A_291 {
        %mul3A_297 = arith.constant 4 : i32
        %mul3A_298 = arith.muli %add3A_258, %mul3A_297 : i32
        %add3A_299 = arith.addi %mul3A_4, %mul3A_298 : i32
        %dma_start3A_300 = arith.constant 1 : i32
        %dma_start3A_301 = arith.constant 0 : i32
        %dma_start3A_302 = arith.constant 0 : i32
        %dma_start3A_303 = tpu.memref_slice %arg9[%dma_start3A_300, %dma_start3A_301, %dma_start3A_302] : memref<3x4x2048xf32, #tpu.memory_space<vmem>> -> memref<1x4x2048xf32, #tpu.memory_space<vmem>>
        %dma_start3A_304 = tpu.memref_squeeze %dma_start3A_303 : memref<1x4x2048xf32, #tpu.memory_space<vmem>> -> memref<4x2048xf32, #tpu.memory_space<vmem>>
        %dma_start3A_305 = arith.constant 0 : i32
        %dma_start3A_306 = tpu.memref_slice %arg5[%add3A_299, %dma_start3A_305] : memref<8192x2048xf32, #tpu.memory_space<hbm>> -> memref<4x2048xf32, #tpu.memory_space<hbm>>
        %dma_start3A_307 = arith.constant 0 : i32
        %dma_start3A_308 = tpu.memref_slice %arg5[%add3A_299, %dma_start3A_307] : memref<8192x2048xf32, #tpu.memory_space<hbm>> -> memref<4x2048xf32, #tpu.memory_space<hbm>>
        %dma_start3A_309 = arith.constant 0 : i32
        %dma_start3A_310 = arith.constant 0 : i32
        %dma_start3A_311 = tpu.memref_slice %arg9[%dma_start3A_300, %dma_start3A_309, %dma_start3A_310] : memref<3x4x2048xf32, #tpu.memory_space<vmem>> -> memref<1x4x2048xf32, #tpu.memory_space<vmem>>
        %dma_start3A_312 = tpu.memref_squeeze %dma_start3A_311 : memref<1x4x2048xf32, #tpu.memory_space<vmem>> -> memref<4x2048xf32, #tpu.memory_space<vmem>>
        tpu.enqueue_dma source(%dma_start3A_312 : memref<4x2048xf32, #tpu.memory_space<vmem>>) target(%dma_start3A_308 : memref<4x2048xf32, #tpu.memory_space<hbm>>) target_semaphore(%arg15 : memref<!tpu.dma_semaphore, #tpu.memory_space<semaphore_mem>>)
      } else {
      }
      %eq3A_292 = arith.constant 2 : i32
      %eq3A_293 = arith.cmpi eq, %rem3A_260, %eq3A_292 : i32
      %convert_element_type3A_294 = arith.extui %eq3A_293 : i1 to i32
      %cond3A_295 = arith.constant 0 : i32
      %cond3A_296 = arith.cmpi ne, %convert_element_type3A_294, %cond3A_295 : i32
      scf.if %cond3A_296 {
        %mul3A_297 = arith.constant 4 : i32
        %mul3A_298 = arith.muli %add3A_258, %mul3A_297 : i32
        %add3A_299 = arith.addi %mul3A_4, %mul3A_298 : i32
        %dma_start3A_300 = arith.constant 2 : i32
        %dma_start3A_301 = arith.constant 0 : i32
        %dma_start3A_302 = arith.constant 0 : i32
        %dma_start3A_303 = tpu.memref_slice %arg9[%dma_start3A_300, %dma_start3A_301, %dma_start3A_302] : memref<3x4x2048xf32, #tpu.memory_space<vmem>> -> memref<1x4x2048xf32, #tpu.memory_space<vmem>>
        %dma_start3A_304 = tpu.memref_squeeze %dma_start3A_303 : memref<1x4x2048xf32, #tpu.memory_space<vmem>> -> memref<4x2048xf32, #tpu.memory_space<vmem>>
        %dma_start3A_305 = arith.constant 0 : i32
        %dma_start3A_306 = tpu.memref_slice %arg5[%add3A_299, %dma_start3A_305] : memref<8192x2048xf32, #tpu.memory_space<hbm>> -> memref<4x2048xf32, #tpu.memory_space<hbm>>
        %dma_start3A_307 = arith.constant 0 : i32
        %dma_start3A_308 = tpu.memref_slice %arg5[%add3A_299, %dma_start3A_307] : memref<8192x2048xf32, #tpu.memory_space<hbm>> -> memref<4x2048xf32, #tpu.memory_space<hbm>>
        %dma_start3A_309 = arith.constant 0 : i32
        %dma_start3A_310 = arith.constant 0 : i32
        %dma_start3A_311 = tpu.memref_slice %arg9[%dma_start3A_300, %dma_start3A_309, %dma_start3A_310] : memref<3x4x2048xf32, #tpu.memory_space<vmem>> -> memref<1x4x2048xf32, #tpu.memory_space<vmem>>
        %dma_start3A_312 = tpu.memref_squeeze %dma_start3A_311 : memref<1x4x2048xf32, #tpu.memory_space<vmem>> -> memref<4x2048xf32, #tpu.memory_space<vmem>>
        tpu.enqueue_dma source(%dma_start3A_312 : memref<4x2048xf32, #tpu.memory_space<vmem>>) target(%dma_start3A_308 : memref<4x2048xf32, #tpu.memory_space<hbm>>) target_semaphore(%arg16 : memref<!tpu.dma_semaphore, #tpu.memory_space<semaphore_mem>>)
      } else {
      }
    }
    %scan3A_40 = arith.constant 32 : i32
    %dma_wait3A = arith.constant 0 : i32
    %dma_wait3A_41 = arith.constant 0 : i32
    %dma_wait3A_42 = arith.constant 0 : i32
    %dma_wait3A_43 = tpu.memref_slice %arg9[%dma_wait3A, %dma_wait3A_41, %dma_wait3A_42] : memref<3x4x2048xf32, #tpu.memory_space<vmem>> -> memref<1x4x2048xf32, #tpu.memory_space<vmem>>
    %dma_wait3A_44 = tpu.memref_squeeze %dma_wait3A_43 : memref<1x4x2048xf32, #tpu.memory_space<vmem>> -> memref<4x2048xf32, #tpu.memory_space<vmem>>
    %dma_wait3A_45 = arith.constant 0 : i32
    %dma_wait3A_46 = tpu.memref_slice %arg5[%mul3A_4, %dma_wait3A_45] : memref<8192x2048xf32, #tpu.memory_space<hbm>> -> memref<4x2048xf32, #tpu.memory_space<hbm>>
    %dma_wait3A_47 = arith.constant 0 : i32
    %dma_wait3A_48 = tpu.memref_slice %arg5[%mul3A_4, %dma_wait3A_47] : memref<8192x2048xf32, #tpu.memory_space<hbm>> -> memref<4x2048xf32, #tpu.memory_space<hbm>>
    %dma_wait3A_49 = arith.constant 0 : i32
    %dma_wait3A_50 = arith.constant 0 : i32
    %dma_wait3A_51 = tpu.memref_slice %arg9[%dma_wait3A, %dma_wait3A_49, %dma_wait3A_50] : memref<3x4x2048xf32, #tpu.memory_space<vmem>> -> memref<1x4x2048xf32, #tpu.memory_space<vmem>>
    %dma_wait3A_52 = tpu.memref_squeeze %dma_wait3A_51 : memref<1x4x2048xf32, #tpu.memory_space<vmem>> -> memref<4x2048xf32, #tpu.memory_space<vmem>>
    tpu.wait_dma2 semaphore(%arg14 : memref<!tpu.dma_semaphore, #tpu.memory_space<semaphore_mem>>) src(%dma_wait3A_52 : memref<4x2048xf32, #tpu.memory_space<vmem>>) dst(%dma_wait3A_48 : memref<4x2048xf32, #tpu.memory_space<hbm>>)
    %dma_wait3A_53 = arith.constant 1 : i32
    %dma_wait3A_54 = arith.constant 0 : i32
    %dma_wait3A_55 = arith.constant 0 : i32
    %dma_wait3A_56 = tpu.memref_slice %arg9[%dma_wait3A_53, %dma_wait3A_54, %dma_wait3A_55] : memref<3x4x2048xf32, #tpu.memory_space<vmem>> -> memref<1x4x2048xf32, #tpu.memory_space<vmem>>
    %dma_wait3A_57 = tpu.memref_squeeze %dma_wait3A_56 : memref<1x4x2048xf32, #tpu.memory_space<vmem>> -> memref<4x2048xf32, #tpu.memory_space<vmem>>
    %dma_wait3A_58 = arith.constant 0 : i32
    %dma_wait3A_59 = tpu.memref_slice %arg5[%mul3A_4, %dma_wait3A_58] : memref<8192x2048xf32, #tpu.memory_space<hbm>> -> memref<4x2048xf32, #tpu.memory_space<hbm>>
    %dma_wait3A_60 = arith.constant 0 : i32
    %dma_wait3A_61 = tpu.memref_slice %arg5[%mul3A_4, %dma_wait3A_60] : memref<8192x2048xf32, #tpu.memory_space<hbm>> -> memref<4x2048xf32, #tpu.memory_space<hbm>>
    %dma_wait3A_62 = arith.constant 0 : i32
    %dma_wait3A_63 = arith.constant 0 : i32
    %dma_wait3A_64 = tpu.memref_slice %arg9[%dma_wait3A_53, %dma_wait3A_62, %dma_wait3A_63] : memref<3x4x2048xf32, #tpu.memory_space<vmem>> -> memref<1x4x2048xf32, #tpu.memory_space<vmem>>
    %dma_wait3A_65 = tpu.memref_squeeze %dma_wait3A_64 : memref<1x4x2048xf32, #tpu.memory_space<vmem>> -> memref<4x2048xf32, #tpu.memory_space<vmem>>
    tpu.wait_dma2 semaphore(%arg15 : memref<!tpu.dma_semaphore, #tpu.memory_space<semaphore_mem>>) src(%dma_wait3A_65 : memref<4x2048xf32, #tpu.memory_space<vmem>>) dst(%dma_wait3A_61 : memref<4x2048xf32, #tpu.memory_space<hbm>>)
    %dma_wait3A_66 = arith.constant 2 : i32
    %dma_wait3A_67 = arith.constant 0 : i32
    %dma_wait3A_68 = arith.constant 0 : i32
    %dma_wait3A_69 = tpu.memref_slice %arg9[%dma_wait3A_66, %dma_wait3A_67, %dma_wait3A_68] : memref<3x4x2048xf32, #tpu.memory_space<vmem>> -> memref<1x4x2048xf32, #tpu.memory_space<vmem>>
    %dma_wait3A_70 = tpu.memref_squeeze %dma_wait3A_69 : memref<1x4x2048xf32, #tpu.memory_space<vmem>> -> memref<4x2048xf32, #tpu.memory_space<vmem>>
    %dma_wait3A_71 = arith.constant 0 : i32
    %dma_wait3A_72 = tpu.memref_slice %arg5[%mul3A_4, %dma_wait3A_71] : memref<8192x2048xf32, #tpu.memory_space<hbm>> -> memref<4x2048xf32, #tpu.memory_space<hbm>>
    %dma_wait3A_73 = arith.constant 0 : i32
    %dma_wait3A_74 = tpu.memref_slice %arg5[%mul3A_4, %dma_wait3A_73] : memref<8192x2048xf32, #tpu.memory_space<hbm>> -> memref<4x2048xf32, #tpu.memory_space<hbm>>
    %dma_wait3A_75 = arith.constant 0 : i32
    %dma_wait3A_76 = arith.constant 0 : i32
    %dma_wait3A_77 = tpu.memref_slice %arg9[%dma_wait3A_66, %dma_wait3A_75, %dma_wait3A_76] : memref<3x4x2048xf32, #tpu.memory_space<vmem>> -> memref<1x4x2048xf32, #tpu.memory_space<vmem>>
    %dma_wait3A_78 = tpu.memref_squeeze %dma_wait3A_77 : memref<1x4x2048xf32, #tpu.memory_space<vmem>> -> memref<4x2048xf32, #tpu.memory_space<vmem>>
    tpu.wait_dma2 semaphore(%arg16 : memref<!tpu.dma_semaphore, #tpu.memory_space<semaphore_mem>>) src(%dma_wait3A_78 : memref<4x2048xf32, #tpu.memory_space<vmem>>) dst(%dma_wait3A_74 : memref<4x2048xf32, #tpu.memory_space<hbm>>)
    return
  }
}

</mosaic_0001>

<sc_bundles>
// kernel: kernel.3.cloned.1.call-start
scs
__scs_entry_jumppad:
0x0: {  	(pc) =	sbr.rel $0x88, $3  }
0x1: {  	(tag) =	ssettag $0x0;
	lr =	simm.s32 $0x1  }
0x2: {  	[smem:$0x3F9E] =	sst lr;
	_ =	strace $0xD0000000  }
0x3: {  	_ = 	snop  }
0x4: {  	_ = 	snop  }
0x5: {  	_ = 	snop  }
0x6: {  	_ = 	snop  }
0x7: {  	_ = 	snop  }
__scs_overlays_trampoline_lowered:
0x8: {  	[smem:$0x3FAD] =	sst s0  }
0x9: {  	[smem:$0x3FAE] =	sst s1  }
0xa: {  	[smem:$0x3FAF] =	sst s2  }
0xb: {  	[smem:$0x3FB0] =	sst s3  }
0xc: {  	[smem:$0x3FB1] =	sst s4  }
0xd: {  	[smem:$0x3FB2] =	sst s5  }
0xe: {  	[smem:$0x3FB3] =	sst s6  }
0xf: {  	[smem:$0x3FB4] =	sst s7  }
0x10: {  	[smem:$0x3FB5] =	sst s8  }
0x11: {  	[smem:$0x3FB6] =	sst s9;
	s0 =	simm.s32 @!p0 $0x0  }
0x12: {  	s1 =	sld [smem:$0x3F9C];
	s0 =	simm.s32 @p0 $0x1  }
0x13: {  	[smem:$0x3FB7] =	sst s0;
	s0 =	simm.s32 @!p1 $0x0  }
0x14: {  	s2 =	sld [smem:$0x3F9B];
	s0 =	simm.s32 @p1 $0x1  }
0x15: {  	[smem:$0x3FB8] =	sst s0;
	s0 =	simm.s32 @!p2 $0x0  }
0x16: {  	s3 =	sld [smem:$0x3FDB];
	s0 =	simm.s32 @p2 $0x1  }
0x17: {  	s4 =	simm.s32 $0x1BF5;
	[smem:$0x3FBA] =	sst s0  }
0x18: {  	s0 =	sld [smem:$0x3F9D];
	_ =	swait.ge [sflag:s4], $0x0  }
0x19: {  	s7 =	sld [smem:$0x3F9E]  }
0x1a: {  	s8 =	sadd.s32 $0xFFFFE003, lr  }
0x1b: {  	s9 =	sadd.s32 $0xFFFFFEF7, lr;
	s5 =	simm.s32 $0xFFFFFFFF;
	p2 =	slt.u32 s8, $0xFFFFF086  }
0x1c: {  	p1 =	slt.u32 s9, $0xF7A;
	s5 =	simm.s32 @!p2 $0x0  }
0x1d: {  	s5 =	simm.s32 @p1 $0x1;
	p0 =	seq.s32 s7, s2  }
0x1e: {  	s7 =	smul.u32 @!p0 $0xF7A, s2;
	p2 =	seq.s32 @!p0 s5, $0x0  }
0x1f: {  	s9 =	smul.u32 $0xF7A, s1;
	s8 =	simm.s32 @!p0 $0x1BF5;
	p2 =	por !p2, p0  }
0x20: {  	[sflag:s8] =	ssyncset.s32 @!p0 $0xFFFFF086;
	s6 =	sadd.s32 @!p0 s3, s7;
	s7 =	simm.s32 @!p0 $0x108  }
0x21: {  	s3 =	sadd.s32 s3, s9;
	s6 =	sadd.s32 @!p0 $0x88, s6;
	s7 =	simm.s32 @p2 $0x1082  }
0x22: {  	[simem:s7], [sflag:s8] =	dma.local @!p0 [hbm:s6], $0xF7A  }
0x23: {  	s9 =	sor.u32 $0xD0000000, s2;
	s6 =	simm.s32 $0x108;
	_ =	swait.ge @!p0 [sflag:s8], $0x0  }
0x24: {  	s3 =	sadd.s32 $0x88, s3;
	s6 =	simm.s32 @!p1 $0x1082;
	[sflag:s4] =	ssyncset.s32 $0xFFFFF086  }
0x25: {  	[simem:s6], [sflag:s4] =	dma.local [hbm:s3], $0xF7A  }
0x26: {  	[smem:$0x3F9E] =	sst s1;
	(tag) =	ssettag s2;
	_ =	strace s9  }
0x27: {  	s1 =	sld [smem:$0x3FAE]  }
0x28: {  	s2 =	sld [smem:$0x3FAF]  }
0x29: {  	s4 =	sld [smem:$0x3FB1]  }
0x2a: {  	p0 =	seq.s32 s5, $0x0;
	s5 =	sld [smem:$0x3FB2]  }
0x2b: {  	s6 =	sld [smem:$0x3FB3]  }
0x2c: {  	s7 =	sld [smem:$0x3FB4]  }
0x2d: {  	s3 =	simm.s32 $0x108;
	s8 =	sld [smem:$0x3FB5]  }
0x2e: {  	s3 =	simm.s32 @!p0 $0x1082;
	s9 =	sld [smem:$0x3FB6]  }
0x2f: {  	lr =	sadd.s32 s0, s3;
	s0 =	sld [smem:$0x3FAD]  }
0x30: {  	s3 =	sld [smem:$0x3FB0]  }
0x31: {  	[smem:$0x3FB9] =	sst s10  }
0x32: {  	s10 =	sld [smem:$0x3FB7];
	_ =	sdelay $0x3  }
0x33: {  	p0 =	seq.s32 s10, $0x1;
	s10 =	sld [smem:$0x3FB9];
	_ =	sdelay $0x3  }
0x34: {  	[smem:$0x3FB9] =	sst s10  }
0x35: {  	s10 =	sld [smem:$0x3FB8];
	_ =	sdelay $0x3  }
0x36: {  	p1 =	seq.s32 s10, $0x1;
	s10 =	sld [smem:$0x3FB9];
	_ =	sdelay $0x3  }
0x37: {  	[smem:$0x3FB9] =	sst s10  }
0x38: {  	s10 =	sld [smem:$0x3FBA]  }
0x39: {  	_ = 	snop;
	(pc) =	sbr.ind lr, $3  }
0x3a: {  	_ = 	snop  }
0x3b: {  	_ = 	snop  }
0x3c: {  	p2 =	seq.s32 s10, $0x1;
	s10 =	sld [smem:$0x3FB9]  }
0x3d: {  	_ =	shalt  }
0x3e: {  	_ =	shalt  }
0x3f: {  	_ =	shalt  }
0x40: {  	_ =	shalt  }
0x41: {  	_ =	shalt  }
0x42: {  	_ =	shalt  }
0x43: {  	_ =	shalt  }
0x44: {  	_ =	shalt  }
0x45: {  	_ =	shalt  }
0x46: {  	_ =	shalt  }
0x47: {  	_ =	shalt  }
0x48: {  	_ =	shalt  }
0x49: {  	_ =	shalt  }
0x4a: {  	_ =	shalt  }
0x4b: {  	_ =	shalt  }
0x4c: {  	_ =	shalt  }
0x4d: {  	_ =	shalt  }
0x4e: {  	_ =	shalt  }
0x4f: {  	_ =	shalt  }
0x50: {  	_ =	shalt  }
0x51: {  	_ =	shalt  }
0x52: {  	_ =	shalt  }
0x53: {  	_ =	shalt  }
0x54: {  	_ =	shalt  }
0x55: {  	_ =	shalt  }
0x56: {  	_ =	shalt  }
0x57: {  	_ =	shalt  }
0x58: {  	_ =	shalt  }
0x59: {  	_ =	shalt  }
0x5a: {  	_ =	shalt  }
0x5b: {  	_ =	shalt  }
0x5c: {  	_ =	shalt  }
0x5d: {  	_ =	shalt  }
0x5e: {  	_ =	shalt  }
0x5f: {  	_ =	shalt  }
0x60: {  	_ =	shalt  }
0x61: {  	_ =	shalt  }
0x62: {  	_ =	shalt  }
0x63: {  	_ =	shalt  }
0x64: {  	_ =	shalt  }
0x65: {  	_ =	shalt  }
0x66: {  	_ =	shalt  }
0x67: {  	_ =	shalt  }
0x68: {  	_ =	shalt  }
0x69: {  	_ =	shalt  }
0x6a: {  	_ =	shalt  }
0x6b: {  	_ =	shalt  }
0x6c: {  	_ =	shalt  }
0x6d: {  	_ =	shalt  }
0x6e: {  	_ =	shalt  }
0x6f: {  	_ =	shalt  }
0x70: {  	_ =	shalt  }
0x71: {  	_ =	shalt  }
0x72: {  	_ =	shalt  }
0x73: {  	_ =	shalt  }
0x74: {  	_ =	shalt  }
0x75: {  	_ =	shalt  }
0x76: {  	_ =	shalt  }
0x77: {  	_ =	shalt  }
0x78: {  	_ =	shalt  }
0x79: {  	_ =	shalt  }
0x7a: {  	_ =	shalt  }
0x7b: {  	_ =	shalt  }
0x7c: {  	_ =	shalt  }
0x7d: {  	_ =	shalt  }
0x7e: {  	_ =	shalt  }
0x7f: {  	_ =	shalt  }
0x80: {  	_ =	shalt  }
0x81: {  	_ =	shalt  }
0x82: {  	_ =	shalt  }
0x83: {  	_ =	shalt  }
0x84: {  	_ =	shalt  }
0x85: {  	_ =	shalt  }
0x86: {  	_ =	shalt  }
0x87: {  	_ =	shalt  }
.Lfunc_end0:
.L_simem_size_0:
called_computation_lowered:
.L_overlay_start_0:
0x88: {  	s2 =	sld [smem:$0x3FD9]  }
0x89: {  	s3 =	sld [smem:$0x3FFE];
	_ =	sdelay $0x1  }
0x8a: {  	s1 =	srdreg.scid  }
0x8b: {  	s0 =	sand.u32 $0x1, s1  }
0x8c: {  	s17 =	sshll.u32 s0, $0xA;
	s2 =	sadd.s32 s3, s2  }
0x8d: {  	s2 =	sadd.s32 s2, s17  }
0x8e: {  	[smem:$0x3FC5] =	sst s2  }
0x8f: {  	_ = 	snop  }
0x90: {  	s2 =	sld [smem:$0x3FC9]  }
0x91: {  	s18 =	sld [smem:$0x3FC8]  }
0x92: {  	s4 =	sld [smem:$0x3FD0];
	(tm) =	ssettm $0x1  }
0x93: {  	s5 =	sld [smem:$0x3FFB];
	_ =	sdelay $0x3  }
0x94: {  	_ =	strace s5  }
0x95: {  	s5 =	sld [smem:$0x3FFC];
	_ =	sdelay $0x3  }
0x96: {  	_ =	strace s5  }
0x97: {  	s5 =	sld [smem:$0x3FFD];
	_ =	sdelay $0x3  }
0x98: {  	_ =	strace s5  }
0x99: {  	_ =	strace $0x8FFFFFFF  }
0x9a: {  	s19 =	sld [smem:$0x3FDB];
	_ =	sdelay $0x1  }
0x9b: {  	s6 =	simm.s32 $_scs_section_size  }
0x9c: {  	s7 =	simm.s32 $_size__tile_overlayer_lowered;
	s8 =	simm.s32 $_tile_overlayer_lowered  }
0x9d: {  	s22 =	simm.s32 $0x1BFF;
	s21 =	sshll.u32 s8, $0x1;
	s5 =	sadd.s32 s6, s19  }
0x9e: {  	s9 =	simm.s32 $0x0;
	s20 =	sshll.u32 s7, $0x1;
	s7 =	sadd.s32 s21, s5  }
0x9f: {  	[timem:s9], [sflag:s22] =	dma.local [hbm:s7], s20  }
0xa0: {  	_ =	swait.ge [sflag:s22], s20  }
0xa1: {  	s6 =	ssub.s32 $0x0, s20;
	[sflag:s22] =	ssyncset.done $0x0  }
0xa2: {  	[sflag:s22] =	ssyncadd.s32 s6;
	_ =	sdelay $0x1  }
0xa3: {  	s23 =	simm.s32 $0x1B8B  }
0xa4: {  	_ =	swait.ge [sflag:s23], $0x1  }
0xa5: {  	[sflag:s23] =	ssyncset.done $0x0  }
0xa6: {  	s25 =	simm.s32 $0x1B8E;
	s24 =	sld [smem:$0x3FFE];
	[sflag:s23] =	ssyncadd.s32 $0xFFFFFFFF  }
0xa7: {  	s26 =	simm.s32 $execute0_lowered;
	[smem:$0x3FD2] =	sst s25  }
0xa8: {  	s7 =	sshll.u32 s26, $0x1;
	_ =	strace $0x80000046;
	[dreg:$0x1] =	wrdreg $0xFFFFFFFF  }
0xa9: {  	s28 =	simm.s32 $_size_execute0_lowered;
	s5 =	sadd.s32 s5, s7;
	[dreg:$0x0] =	wrdreg $0x0  }
0xaa: {  	s7 =	sshll.u32 s28, $0x1;
	[dreg:$0x2] =	wrdreg s5  }
0xab: {  	[dreg:$0x3] =	wrdreg s7  }
0xac: {  	[dreg:$0x4] =	wrdreg $0xC0  }
0xad: {  	_ =	task [dreg:s9], $0x5FFFF  }
0xae: {  	[dreg:$0x1] =	wrdreg $0xFFFFFFFF  }
0xaf: {  	[dreg:$0x0] =	wrdreg $0x60  }
0xb0: {  	[dreg:$0x2] =	wrdreg s2  }
0xb1: {  	[dreg:$0x3] =	wrdreg s24  }
0xb2: {  	[dreg:$0x4] =	wrdreg s18  }
0xb3: {  	[dreg:$0x5] =	wrdreg s4  }
0xb4: {  	[dreg:$0x6] =	wrdreg $0x9  }
0xb5: {  	_ =	task.clear_ibuf [dreg:s9], $0x7FFFF;
	_ =	strace $0x90000046  }
0xb6: {  	s29 =	simm.s32 $0x9;
	_ =	strace $0x80000048  }
0xb7: {  	_ =	swait.ge [sflag:s29], $0x1  }
0xb8: {  	[sflag:s29] =	ssyncadd.s32 $0xFFFFFFFF  }
0xb9: {  	_ =	strace $0x90000048  }
0xba: {  	_ =	sfence  }
0xbb: {  	s30 =	sld [smem:$0x0];
	_ =	sdelay $0x2  }
0xbc: {  	s31 =	sshll.u32 s1, $0xD;
	s1 =	sshrl.u32 s1, $0x2  }
0xbd: {  	s3 =	sand.u32 $0x4000, s31;
	s1 =	sadd.s32 s1, s30  }
0xbe: {  	s0 =	sor.u32 s3, s0;
	s1 =	sshll.u32 s1, $0x11  }
0xbf: {  	s0 =	sor.u32 s1, s0  }
0xc0: {  	s0 =	sadd.s32 $0x8F2B, s0  }
0xc1: {  	[sflag:s0] =	ssyncadd.remote.s32 $0x1  }
0xc2: {  	_ =	sfence.sel $0xFFFF  }
0xc3: {  	[dreg:$0x0] =	wrdreg $0xFFFFFFFF;
	(pc) =	sbr.abs _section_cstart, $3  }
0xc4: {  	[dreg:$0x1] =	wrdreg $0xFFFFFFFF  }
0xc5: {  	_ =	task.clear_ibuf [dreg:s9], $0x2FFFF;
	_ =	strace $0x9FFFFFFF  }
0xc6: {  	(tm) =	ssettm $0x7FFFFFFF  }
0xc7: {  	_ =	shalt  }
tec
execute0_lowered:
.L_overlay_start_1:
0x0: {  	(tag) =	ssettag $0x1  }
0x1: {  	s1 =	rddreg [dreg:$0x0]  }
0x2: {  	s0 =	rddreg [dreg:$0x1]  }
0x3: {  	s2 =	rddreg [dreg:$0x2]  }
0x4: {  	s3 =	srdreg.scid;
	s6 =	stileid.u32  }
0x5: {  	s4 =	rddreg [dreg:$0x3];
	s28 =	simm.s32 $0x6600;
	s29 =	simm.s32 $0x6E00  }
0x6: {  	s30 =	simm.s32 $0x7600;
	s31 =	simm.s32 $0x7E00;
	s13 =	simm.s32 $0x200  }
0x7: {  	s15 =	simm.s32 $0x3;
	s16 =	simm.s32 $0x4;
	s19 =	simm.s32 $0xA600  }
0x8: {  	s20 =	simm.s32 $0x8600;
	s5 =	sand.u32 $0x1, s3;
	s21 =	sshll.u32 s6, $0x1  }
0x9: {  	s3 =	simm.s32 $0x0;
	s6 =	sadd.s32 $0x400, s1;
	s7 =	sadd.s32 $0x600, s1  }
0xa: {  	s8 =	sor.u32 s5, s21;
	s5 =	ssub.s32 $0x2, s5;
	[smem:$0x7FF] =	sst s3  }
0xb: {  	v1 =	vlaneseq.u32;
	vm0 =	vmmov $0xffff;
	v2 =	vimm.s32 $0x0;
	s22 =	sshll.u32 s8, $0x7;
	s23 =	sshrl.u32 s5, $0x1;
	_ =	strace $0x80000047  }
0xc: {  	v3 =	vimm.s32 $0x1;
	v4 =	vimm.s32 $0x2;
	v5 =	vimm.s32 $0x3;
	s24 =	sshll.u32 s8, $0x10;
	s10 =	sshll.u32 s8, $0x6;
	s0 =	sadd.s32 s22, s0  }
.Ltmp0:
0xd: {  	v6 =	vimm.s32 $0x4;
	v7 =	vimm.s32 $0x5;
	v8 =	vimm.s32 $0x6;
	s9 =	ssub.s32 s5, s23;
	s5 =	sadd.s32 $0x200, s1;
	(pc) =	sbr.rel .LBB2_1-.Ltmp0, $4  }
0xe: {  	v9 =	vimm.s32 $0x7;
	v10 =	vimm.s32 $0x8;
	v11 =	vimm.s32 $0x9;
	s8 =	sadd.s32 s4, s24;
	s25 =	sadd.s32 s2, s10;
	s0 =	sadd.s32 $0x400, s0  }
0xf: {  	v12 =	vimm.s32 $0xA;
	v13 =	vimm.s32 $0xB;
	v14 =	vimm.s32 $0xC;
	[dreg:$0x6] =	wrdreg s25;
	s10 =	sadd.s32 $0x40, s8;
	s26 =	smax.u32 s9, $0x1  }
0x10: {  	v15 =	vimm.s32 $0xD;
	v0 =	vand.u32 $0x3, v1;
	v1 =	vshrl.u32 v1, $0x2;
	s25 =	simm.s32 $0x400;
	s9 =	simm.s32 $0x0;
	[dreg:$0x5] =	wrdreg s0  }
0x11: {  	v16 =	vimm.s32 $0xE;
	v17 =	vimm.s32 $0xF;
	v1 =	vmul.u32 $0x8, v1;
	[dreg:$0x7] =	wrdreg s26;
	s26 =	simm.s32 $0x1;
	s0 =	simm.s32 $0x2  }
.LBB2_21:
0x12: {  	s2 =	simm.s32 $0x5  }
0x13: {  	_ =	swait.ge [sflag:s2], $0x2000  }
0x14: {  	[sflag:s2] =	ssyncset.done $0x0  }
0x15: {  	s23 =	simm.s32 $0x6;
	[sflag:s2] =	ssyncadd.s32 $0xFFFFE000  }
0x16: {  	_ =	swait.ge [sflag:s23], $0x2000  }
0x17: {  	[sflag:s23] =	ssyncset.done $0x0  }
0x18: {  	s4 =	simm.s32 $0x7;
	[sflag:s23] =	ssyncadd.s32 $0xFFFFE000  }
0x19: {  	_ =	swait.ge [sflag:s4], $0x2000  }
0x1a: {  	s9 =	rddreg [dreg:$0x8]  }
0x1b: {  	s24 =	rddreg [dreg:$0x7];
	s9 =	sadd.s32 $0x1, s9  }
0x1c: {  	p0 =	sne.s32 s9, s24  }
.Ltmp1:
0x1d: {  	_ = 	snop;
	(pc) =	sbr.rel @!p0 .LBB2_22-.Ltmp1, $3  }
0x1e: {  	_ =	sdelay $0x1  }
0x1f: {  	[sflag:s4] =	ssyncset.done $0x0  }
0x20: {  	[sflag:s4] =	ssyncadd.s32 $0xFFFFE000  }
.LBB2_1:
0x21: {  	[dreg:$0x8] =	wrdreg s9  }
0x22: {  	s2 =	rddreg [dreg:$0x5];
	s4 =	simm.s32 $0x8  }
0x23: {  	[tilespmem:s3], [sflag:$0x8] =	stream.linear.gather [hbm4b:s2+s3], $0x400, $0x38;
	[tilespmem:$0xE600] =	vst v63  }
0x24: {  	_ =	swait.ge [sflag:s4], $0x400  }
0x25: {  	[sflag:s4] =	ssyncset.done $0x0  }
0x26: {  	[sflag:s4] =	ssyncadd.s32 $0xFFFFFC00  }
0x27: {  	v18 =	vld.msk [tilespmem:$0x0], $0xf;
	_ =	sdelay $0x4  }
0x28: {  	v19 =	vshll.u32 v18, $0x4  }
0x29: {  	v18 =	vand.u32 $0x7, v18;
	v19 =	vand.u32 $0xFFFFFF80, v19  }
0x2a: {  	v18 =	vor.u32 v18, v19  }
0x2b: {  	v18 =	vperm.xlane v18, v0;
	_ =	sdelay $0x1  }
0x2c: {  	v18 =	vadd.s32 v1, v18;
	_ =	sdelay $0x3  }
0x2d: {  	s22 =	simm.s32 $0x600  }
0x2e: {  	[tilespmem:s22], [sflag:$0x1] =	stream.indirect_vreg.gather [hbm4b:s1+s3], $0x80, v18, vm0, $0xb8;
	[tilespmem:$0xE600] =	vst v63  }
0x2f: {  	s23 =	simm.s32 $0xE00  }
0x30: {  	[tilespmem:s23], [sflag:$0x1] =	stream.indirect_vreg.gather [hbm4b:s5+s3], $0x80, v18, vm0, $0xb8;
	[tilespmem:$0xE600] =	vst v63  }
0x31: {  	s24 =	simm.s32 $0x1600  }
0x32: {  	[tilespmem:s24], [sflag:$0x1] =	stream.indirect_vreg.gather [hbm4b:s6+s3], $0x80, v18, vm0, $0xb8;
	[tilespmem:$0xE600] =	vst v63  }
0x33: {  	s9 =	simm.s32 $0x1E00  }
0x34: {  	[tilespmem:s9], [sflag:$0x1] =	stream.indirect_vreg.gather [hbm4b:s7+s3], $0x80, v18, vm0, $0xb8;
	[tilespmem:$0xE600] =	vst v63  }
0x35: {  	v18 =	vld.msk [tilespmem:$0x8], $0xf;
	_ =	sdelay $0x4  }
0x36: {  	v19 =	vshll.u32 v18, $0x4  }
0x37: {  	v18 =	vand.u32 $0x7, v18;
	v19 =	vand.u32 $0xFFFFFF80, v19  }
0x38: {  	v18 =	vor.u32 v18, v19  }
0x39: {  	v18 =	vperm.xlane v18, v0;
	_ =	sdelay $0x1  }
0x3a: {  	v18 =	vadd.s32 v1, v18;
	_ =	sdelay $0x3  }
0x3b: {  	s11 =	simm.s32 $0x2600  }
0x3c: {  	[tilespmem:s11], [sflag:$0x2] =	stream.indirect_vreg.gather [hbm4b:s1+s3], $0x80, v18, vm0, $0xb8;
	[tilespmem:$0xE600] =	vst v63  }
0x3d: {  	s12 =	simm.s32 $0x2E00  }
0x3e: {  	[tilespmem:s12], [sflag:$0x2] =	stream.indirect_vreg.gather [hbm4b:s5+s3], $0x80, v18, vm0, $0xb8;
	[tilespmem:$0xE600] =	vst v63  }
0x3f: {  	s14 =	simm.s32 $0x3600  }
0x40: {  	[tilespmem:s14], [sflag:$0x2] =	stream.indirect_vreg.gather [hbm4b:s6+s3], $0x80, v18, vm0, $0xb8;
	[tilespmem:$0xE600] =	vst v63  }
0x41: {  	s17 =	simm.s32 $0x3E00  }
0x42: {  	[tilespmem:s17], [sflag:$0x2] =	stream.indirect_vreg.gather [hbm4b:s7+s3], $0x80, v18, vm0, $0xb8;
	[tilespmem:$0xE600] =	vst v63  }
0x43: {  	v18 =	vld.msk [tilespmem:$0x10], $0xf;
	_ =	sdelay $0x4  }
0x44: {  	v19 =	vshll.u32 v18, $0x4  }
0x45: {  	v18 =	vand.u32 $0x7, v18;
	v19 =	vand.u32 $0xFFFFFF80, v19  }
0x46: {  	v18 =	vor.u32 v18, v19  }
0x47: {  	v18 =	vperm.xlane v18, v0;
	_ =	sdelay $0x1  }
0x48: {  	v18 =	vadd.s32 v1, v18;
	_ =	sdelay $0x3  }
0x49: {  	s18 =	simm.s32 $0x4600  }
0x4a: {  	[tilespmem:s18], [sflag:$0x3] =	stream.indirect_vreg.gather [hbm4b:s1+s3], $0x80, v18, vm0, $0xb8;
	[tilespmem:$0xE600] =	vst v63  }
0x4b: {  	s21 =	simm.s32 $0x4E00  }
0x4c: {  	[tilespmem:s21], [sflag:$0x3] =	stream.indirect_vreg.gather [hbm4b:s5+s3], $0x80, v18, vm0, $0xb8;
	[tilespmem:$0xE600] =	vst v63  }
0x4d: {  	s22 =	simm.s32 $0x5600  }
0x4e: {  	[tilespmem:s22], [sflag:$0x3] =	stream.indirect_vreg.gather [hbm4b:s6+s3], $0x80, v18, vm0, $0xb8;
	[tilespmem:$0xE600] =	vst v63  }
0x4f: {  	s23 =	simm.s32 $0x5E00  }
0x50: {  	[tilespmem:s23], [sflag:$0x3] =	stream.indirect_vreg.gather [hbm4b:s7+s3], $0x80, v18, vm0, $0xb8;
	[tilespmem:$0xE600] =	vst v63  }
.Ltmp2:
0x51: {  	s24 =	rddreg [dreg:$0x6];
	(pc) =	sbr.rel .LBB2_2-.Ltmp2, $4  }
0x52: {  	[tilespmem:s25], [sflag:$0x8] =	stream.linear.gather [hbm4b:s24+s3], $0x200, $0x38;
	[tilespmem:$0xE600] =	vst v63  }
0x53: {  	_ =	swait.ge [sflag:s4], $0x200  }
0x54: {  	s22 =	simm.s32 $0x1;
	s23 =	simm.s32 $0x0;
	[sflag:s4] =	ssyncset.done $0x0  }
0x55: {  	s24 =	simm.s32 $0x8600;
	[sflag:s4] =	ssyncadd.s32 $0xFFFFFE00;
	s4 =	simm.s32 $0x0  }
.LBB2_19:
0x56: {  	s9 =	simm.s32 $0xC600  }
0x57: {  	[hbm4b:s2+s13] =	stream.strided.scatter [tilespmem:s9], [sflag:$0x7], $0x2000, s25, s13, $0x38;
	[tilespmem:$0xE600] =	vst v63  }
.LBB2_20:
0x58: {  	s4 =	sadd.s32 $0x1, s4  }
0x59: {  	p0 =	sne.s32 s4, $0x20  }
.Ltmp3:
0x5a: {  	_ = 	snop;
	(pc) =	sbr.rel @!p0 .LBB2_21-.Ltmp3, $2  }
0x5b: {  	_ =	sdelay $0x2  }
0x5c: {  	s24 =	sadd.s32 $0x4000, s24;
	s23 =	sadd.s32 $0x2, s23;
	s22 =	sadd.s32 $0x2, s22  }
.LBB2_2:
0x5d: {  	s2 =	sshll.u32 s4, $0x4  }
0x5e: {  	s2 =	sand.u32 $0x3FFFFFF0, s2  }
0x5f: {  	s18 =	sshll.u32 s4, $0x5;
	v21 =	vld [tilespmem:s2+$0x400];
	_ =	swait.ge [sflag:s26], $0x2000  }
0x60: {  	s9 =	sand.u32 $0x3FFFFFE0, s18;
	[sflag:s26] =	ssyncset.done $0x0  }
0x61: {  	s2 =	sor.u32 $0x18, s9;
	[sflag:s26] =	ssyncadd.s32 $0xFFFFE000  }
0x62: {  	v18 =	vld.msk [tilespmem:s2+$0x0], $0xf;
	_ =	sdelay $0x4  }
0x63: {  	v19 =	vshll.u32 v18, $0x4  }
0x64: {  	v18 =	vand.u32 $0x7, v18;
	v19 =	vand.u32 $0xFFFFFF80, v19  }
0x65: {  	v18 =	vor.u32 v18, v19  }
0x66: {  	v18 =	vperm.xlane v18, v0;
	_ =	sdelay $0x1  }
0x67: {  	v18 =	vadd.s32 v1, v18  }
0x68: {  	s21 =	smul.u32 $0x156, s4;
	_ =	sdelay $0x1  }
0x69: {  	s2 =	sshrl.u32 s21, $0x9  }
0x6a: {  	s2 =	sand.u32 $0x7F, s2  }
0x6b: {  	[tilespmem:s28], [sflag:$0x4] =	stream.indirect_vreg.gather [hbm4b:s1+s3], $0x80, v18, vm0, $0xb8;
	[tilespmem:$0xE600] =	vst v63  }
0x6c: {  	p0 =	slt.u32 s4, $0x2;
	s2 =	smul.u32 $0x3, s2  }
0x6d: {  	[tilespmem:s29], [sflag:$0x4] =	stream.indirect_vreg.gather [hbm4b:s5+s3], $0x80, v18, vm0, $0xb8;
	[tilespmem:$0xE600] =	vst v63  }
.Ltmp4:
0x6e: {  	s11 =	sshll.u32 s4, $0x1;
	(pc) =	sbr.rel @p0 .LBB2_4-.Ltmp4, $4  }
0x6f: {  	s2 =	ssub.s32 s11, s2  }
0x70: {  	[tilespmem:s30], [sflag:$0x4] =	stream.indirect_vreg.gather [hbm4b:s6+s3], $0x80, v18, vm0, $0xb8;
	[tilespmem:$0xE600] =	vst v63  }
0x71: {  	s17 =	sand.u32 $0xFF, s2  }
0x72: {  	[tilespmem:s31], [sflag:$0x4] =	stream.indirect_vreg.gather [hbm4b:s7+s3], $0x80, v18, vm0, $0xb8;
	[tilespmem:$0xE600] =	vst v63  }
0x73: {  	p0 =	seq.s32 s17, $0x0  }
0x74: {  	p1 =	seq.s32 @!p0 s17, $0x2  }
0x75: {  	p1 =	por !p1, p0  }
0x76: {  	s2 =	simm.s32 @!p1 $0x7  }
0x77: {  	s2 =	simm.s32 @p1 $0x6  }
0x78: {  	s2 =	simm.s32 @p0 $0x5  }
0x79: {  	_ =	swait.ge [sflag:s2], $0x2000  }
0x7a: {  	[sflag:s2] =	ssyncset.done $0x0  }
0x7b: {  	[sflag:s2] =	ssyncadd.s32 $0xFFFFE000  }
.LBB2_4:
0x7c: {  	s2 =	simm.s32 $0x0  }
0x7d: {  	v18 =	vld [tilespmem:s2+$0x670]  }
0x7e: {  	v19 =	vld [tilespmem:s2+$0x6F0]  }
0x7f: {  	s12 =	smulhi.u32 $0xAAAAAAAB, s23;
	v20 =	vld [tilespmem:s2+$0x600]  }
0x80: {  	v22 =	vld [tilespmem:s2+$0x680]  }
0x81: {  	v24 =	vld [tilespmem:s2+$0x610];
	s12 =	sshrl.u32 s12, $0x1  }
0x82: {  	v25 =	vld [tilespmem:s2+$0x690];
	s12 =	smul.u32 $0xFFFE8000, s12  }
0x83: {  	v35 =	vld [tilespmem:s2+$0x620]  }
0x84: {  	v36 =	vld [tilespmem:s2+$0x6A0];
	s12 =	sshra.s32 s12, $0x2  }
0x85: {  	v31 =	vperm.xlane v21, v2;
	v32 =	vperm.xlane v21, v3;
	v37 =	vld [tilespmem:s2+$0x630];
	s12 =	sadd.s32 s12, s24  }
0x86: {  	v38 =	vld [tilespmem:s2+$0x640];
	v26 =	vmov s12  }
0x87: {  	v41 =	vld [tilespmem:s2+$0x6C0];
	v18 =	vmul.f32 v18, v31;
	v19 =	vmul.f32 v19, v32  }
0x88: {  	v33 =	vperm.xlane v21, v4;
	v34 =	vperm.xlane v21, v5;
	v43 =	vld [tilespmem:s2+$0x650]  }
0x89: {  	v29 =	vperm.xlane v21, v6;
	v30 =	vperm.xlane v21, v7;
	v63 =	vld [tilespmem:s2+$0x6D0];
	v18 =	vadd.f32 v19, v18  }
0x8a: {  	v44 =	vld [tilespmem:s2+$0x660];
	v20 =	vmul.f32 v20, v31;
	v40 =	vmul.f32 v22, v32  }
0x8b: {  	v27 =	vperm.xlane v21, v8;
	v28 =	vperm.xlane v21, v9;
	v19 =	vld [tilespmem:s2+$0x6B0];
	[tilespmem:v26+s2+$0x70 ss:$0x1] =	vst.idx.msk $0xffff, v18  }
0x8c: {  	v42 =	vmul.f32 v24, v31;
	v25 =	vmul.f32 v25, v32;
	v20 =	vadd.f32 v40, v20;
	v18 =	vld [tilespmem:s2+$0x770]  }
0x8d: {  	v35 =	vmul.f32 v35, v31;
	v36 =	vmul.f32 v36, v32;
	v39 =	vld [tilespmem:s2+$0x7F0]  }
0x8e: {  	v23 =	vperm.xlane v21, v10;
	v48 =	vld [tilespmem:s2+$0x6E0];
	v42 =	vadd.f32 v25, v42;
	[tilespmem:v26+s2+$0x0 ss:$0x1] =	vst.idx.msk $0xffff, v20  }
0x8f: {  	v24 =	vperm.xlane v21, v11;
	v22 =	vperm.xlane v21, v12;
	v35 =	vadd.f32 v36, v35;
	v49 =	vld [tilespmem:s2+$0x700]  }
0x90: {  	v20 =	vmul.f32 v37, v31;
	[tilespmem:v26+s2+$0x10 ss:$0x1] =	vst.idx.msk $0xffff, v42;
	v19 =	vmul.f32 v19, v32;
	v50 =	vld [tilespmem:s2+$0x780]  }
0x91: {  	v53 =	vmul.f32 v43, v31;
	v54 =	vmul.f32 v63, v32;
	[tilespmem:v26+s2+$0x20 ss:$0x1] =	vst.idx.msk $0xffff, v35;
	v52 =	vld [tilespmem:s2+$0x710]  }
0x92: {  	v55 =	vld [tilespmem:s2+$0x720];
	v19 =	vadd.f32 v19, v20;
	v20 =	vmul.f32 v18, v33;
	v39 =	vmul.f32 v39, v34  }
0x93: {  	v38 =	vmul.f32 v38, v31;
	v51 =	vmul.f32 v41, v32;
	v57 =	vld [tilespmem:s2+$0x7A0]  }
0x94: {  	v58 =	vadd.f32 v54, v53;
	[tilespmem:v26+s2+$0x30 ss:$0x1] =	vst.idx.msk $0xffff, v19;
	v19 =	vadd.f32 v39, v20;
	v20 =	vld [tilespmem:s2+$0x790]  }
0x95: {  	v56 =	vmul.f32 v44, v31;
	v37 =	vmul.f32 v48, v32  }
0x96: {  	v25 =	vperm.xlane v21, v13;
	v35 =	vadd.f32 v51, v38;
	[tilespmem:v26+s2+$0x50 ss:$0x1] =	vst.idx.msk $0xffff, v58  }
0x97: {  	s21 =	smulhi.u32 $0xAAAAAAAB, s22;
	v37 =	vadd.f32 v37, v56;
	v59 =	vld [tilespmem:s2+$0x730];
	v36 =	vmul.f32 v49, v33;
	v60 =	vmul.f32 v50, v34  }
0x98: {  	[tilespmem:v26+s2+$0x40 ss:$0x1] =	vst.idx.msk $0xffff, v35;
	v61 =	vld [tilespmem:s2+$0x7B0];
	v45 =	vmul.f32 v55, v33;
	v63 =	vmul.f32 v57, v34  }
0x99: {  	s12 =	sshrl.u32 s21, $0x1;
	v35 =	vld [tilespmem:s2+$0x740];
	[tilespmem:v26+s2+$0x60 ss:$0x1] =	vst.idx.msk $0xffff, v37;
	v41 =	vmul.f32 v52, v33;
	v62 =	vmul.f32 v20, v34  }
0x9a: {  	s12 =	smul.u32 $0xFFFE8000, s12;
	v18 =	vperm.xlane v21, v14;
	v39 =	vadd.f32 v60, v36;
	v36 =	vld [tilespmem:s2+$0x7C0];
	v42 =	vadd.f32 v63, v45  }
0x9b: {  	v37 =	vld [tilespmem:s2+$0x750];
	[tilespmem:v26+s2+$0xF0 ss:$0x1] =	vst.idx.msk $0xffff, v19;
	v19 =	vperm.xlane v21, v15;
	v41 =	vadd.f32 v62, v41  }
0x9c: {  	s12 =	sshra.s32 s12, $0x2;
	v38 =	vld [tilespmem:s2+$0x7D0];
	[tilespmem:v26+s2+$0x80 ss:$0x1] =	vst.idx.msk $0xffff, v39;
	v40 =	vmul.f32 v59, v33;
	v20 =	vperm.xlane v21, v16  }
0x9d: {  	s21 =	simm.s32 $0x800;
	s18 =	sadd.s32 s12, s24;
	s12 =	simm.s32 $0x0;
	v39 =	vld [tilespmem:s2+$0x760];
	v21 =	vperm.xlane v21, v17;
	[tilespmem:v26+s2+$0x90 ss:$0x1] =	vst.idx.msk $0xffff, v41;
	v41 =	vmul.f32 v61, v34  }
.LBB2_5:
0x9e: {  	s14 =	sshra.s32 s21, $0x2;
	v35 =	vmul.f32 v35, v33;
	v43 =	vld [tilespmem:s2+$0x7E0]  }
0x9f: {  	v44 =	vld [tilespmem:s14+$0x670];
	[tilespmem:v26+s2+$0xA0 ss:$0x1] =	vst.idx.msk $0xffff, v42;
	v40 =	vadd.f32 v41, v40;
	v36 =	vmul.f32 v36, v34  }
0xa0: {  	s12 =	sadd.s32 $0x8, s12;
	v41 =	vld [tilespmem:s14+$0x6F0];
	v37 =	vmul.f32 v37, v33  }
0xa1: {  	p0 =	slt.u32 s12, $0x78;
	v42 =	vld [tilespmem:s14+$0x600];
	[tilespmem:v26+s2+$0xB0 ss:$0x1] =	vst.idx.msk $0xffff, v40;
	v35 =	vadd.f32 v36, v35;
	v36 =	vmul.f32 v38, v34  }
0xa2: {  	v38 =	vld [tilespmem:s14+$0x680];
	v39 =	vmul.f32 v39, v33  }
0xa3: {  	v40 =	vld [tilespmem:s14+$0x610];
	[tilespmem:v26+s2+$0xC0 ss:$0x1] =	vst.idx.msk $0xffff, v35;
	v35 =	vadd.f32 v36, v37;
	v36 =	vmul.f32 v43, v34  }
0xa4: {  	v37 =	vld [tilespmem:s14+$0x690]  }
0xa5: {  	v44 =	vmul.f32 v44, v31;
	v43 =	vld [tilespmem:s14+$0x620];
	v41 =	vmul.f32 v41, v32;
	v36 =	vadd.f32 v36, v39  }
0xa6: {  	v39 =	vmul.f32 v42, v31;
	v42 =	vld [tilespmem:s14+$0x6A0];
	[tilespmem:v26+s2+$0xD0 ss:$0x1] =	vst.idx.msk $0xffff, v35  }
0xa7: {  	v35 =	vmul.f32 v38, v32;
	v38 =	vld [tilespmem:s14+$0x630];
	v41 =	vadd.f32 v41, v44;
	[tilespmem:v26+s2+$0xE0 ss:$0x1] =	vst.idx.msk $0xffff, v36;
	s2 =	smov.u32 s14  }
0xa8: {  	v36 =	vmul.f32 v40, v31;
	v40 =	vld [tilespmem:s2+$0x6B0]  }
0xa9: {  	v35 =	vadd.f32 v35, v39;
	v37 =	vmul.f32 v37, v32;
	v39 =	vld [tilespmem:s2+$0x640];
	[tilespmem:v26+s2+$0x70 ss:$0x1] =	vst.idx.msk $0xffff, v41  }
0xaa: {  	v41 =	vmul.f32 v43, v31;
	v43 =	vld [tilespmem:s2+$0x770]  }
0xab: {  	[tilespmem:v26+s2+$0x0 ss:$0x1] =	vst.idx.msk $0xffff, v35;
	v35 =	vadd.f32 v37, v36;
	v36 =	vmul.f32 v42, v32;
	v37 =	vld [tilespmem:s2+$0x7F0]  }
0xac: {  	v38 =	vmul.f32 v38, v31;
	v42 =	vld [tilespmem:s2+$0x6C0]  }
0xad: {  	[tilespmem:v26+s2+$0x10 ss:$0x1] =	vst.idx.msk $0xffff, v35;
	v35 =	vadd.f32 v36, v41;
	v36 =	vmul.f32 v40, v32;
	v40 =	vld [tilespmem:s2+$0x650]  }
0xae: {  	v39 =	vmul.f32 v39, v31;
	v41 =	vld [tilespmem:s2+$0x6D0]  }
0xaf: {  	[tilespmem:v26+s2+$0x20 ss:$0x1] =	vst.idx.msk $0xffff, v35;
	v35 =	vadd.f32 v36, v38;
	v36 =	vld [tilespmem:s2+$0x660]  }
0xb0: {  	v43 =	vmul.f32 v43, v33;
	v38 =	vld [tilespmem:s2+$0x6E0];
	v37 =	vmul.f32 v37, v34  }
0xb1: {  	v44 =	vld [tilespmem:s2+$0x700];
	[tilespmem:v26+s2+$0x30 ss:$0x1] =	vst.idx.msk $0xffff, v35;
	v35 =	vmul.f32 v42, v32  }
0xb2: {  	v42 =	vld [tilespmem:s2+$0x780];
	v40 =	vmul.f32 v40, v31;
	v37 =	vadd.f32 v37, v43  }
0xb3: {  	v43 =	vld [tilespmem:s2+$0x710];
	v35 =	vadd.f32 v35, v39;
	v39 =	vmul.f32 v41, v32  }
0xb4: {  	v41 =	vld [tilespmem:s2+$0x790];
	v36 =	vmul.f32 v36, v31;
	[tilespmem:v26+s2+$0xF0 ss:$0x1] =	vst.idx.msk $0xffff, v37  }
0xb5: {  	v37 =	vld [tilespmem:s2+$0x720];
	[tilespmem:v26+s2+$0x40 ss:$0x1] =	vst.idx.msk $0xffff, v35;
	v35 =	vadd.f32 v39, v40;
	v38 =	vmul.f32 v38, v32  }
0xb6: {  	v39 =	vmul.f32 v44, v33;
	v40 =	vld [tilespmem:s2+$0x7A0]  }
0xb7: {  	v42 =	vmul.f32 v42, v34;
	v44 =	vld [tilespmem:s2+$0x730];
	[tilespmem:v26+s2+$0x50 ss:$0x1] =	vst.idx.msk $0xffff, v35;
	v36 =	vadd.f32 v38, v36  }
0xb8: {  	v38 =	vmul.f32 v43, v33;
	v43 =	vld [tilespmem:s2+$0x7B0]  }
.Ltmp5:
0xb9: {  	v39 =	vadd.f32 v42, v39;
	v41 =	vmul.f32 v41, v34;
	v35 =	vld [tilespmem:s2+$0x740];
	[tilespmem:v26+s2+$0x60 ss:$0x1] =	vst.idx.msk $0xffff, v36;
	(pc) =	sbr.rel @p0 .LBB2_5-.Ltmp5, $4  }
0xba: {  	v42 =	vmul.f32 v37, v33;
	v36 =	vld [tilespmem:s2+$0x7C0]  }
0xbb: {  	[tilespmem:v26+s2+$0x80 ss:$0x1] =	vst.idx.msk $0xffff, v39;
	v39 =	vadd.f32 v41, v38;
	v41 =	vmul.f32 v40, v34;
	v37 =	vld [tilespmem:s2+$0x750]  }
0xbc: {  	v40 =	vmul.f32 v44, v33;
	v38 =	vld [tilespmem:s2+$0x7D0]  }
0xbd: {  	s21 =	sadd.s32 $0x800, s21;
	[tilespmem:v26+s2+$0x90 ss:$0x1] =	vst.idx.msk $0xffff, v39;
	v42 =	vadd.f32 v41, v42;
	v41 =	vmul.f32 v43, v34;
	v39 =	vld [tilespmem:s2+$0x760]  }
0xbe: {  	_ = 	snop  }
0xbf: {  	v31 =	vld [tilespmem:s2+$0x7E0];
	_ =	sdelay $0x2  }
0xc0: {  	v32 =	vmul.f32 v35, v33;
	[tilespmem:v26+s2+$0xA0 ss:$0x1] =	vst.idx.msk $0xffff, v42;
	v47 =	vmul.f32 v36, v34  }
0xc1: {  	v48 =	vadd.f32 v41, v40;
	v37 =	vmul.f32 v37, v33;
	v38 =	vmul.f32 v38, v34  }
0xc2: {  	v32 =	vadd.f32 v47, v32;
	v49 =	vmul.f32 v39, v33;
	v31 =	vmul.f32 v31, v34  }
0xc3: {  	[tilespmem:v26+s2+$0xB0 ss:$0x1] =	vst.idx.msk $0xffff, v48;
	v50 =	vadd.f32 v38, v37  }
0xc4: {  	[tilespmem:v26+s2+$0xC0 ss:$0x1] =	vst.idx.msk $0xffff, v32;
	v31 =	vadd.f32 v31, v49  }
0xc5: {  	[tilespmem:v26+s2+$0xD0 ss:$0x1] =	vst.idx.msk $0xffff, v50  }
0xc6: {  	[tilespmem:v26+s2+$0xE0 ss:$0x1] =	vst.idx.msk $0xffff, v31  }
0xc7: {  	_ =	swait.ge [sflag:s0], $0x2000  }
0xc8: {  	[sflag:s0] =	ssyncset.done $0x0  }
0xc9: {  	p0 =	seq.s32 s4, $0x1F;
	[sflag:s0] =	ssyncadd.s32 $0xFFFFE000  }
0xca: {  	v31 =	vld.msk @!p0 [tilespmem:s9+$0x20], $0xf;
	_ =	sdelay $0x4  }
0xcb: {  	v32 =	vshll.u32 @!p0 v31, $0x4  }
0xcc: {  	v33 =	vlaneseq.u32 @!p0;
	v31 =	vand.u32 @!p0 $0x7, v31;
	v32 =	vand.u32 @!p0 $0xFFFFFF80, v32  }
0xcd: {  	v31 =	vor.u32 @!p0 v31, v32;
	v32 =	vand.u32 @!p0 $0x3, v33;
	v33 =	vshrl.u32 @!p0 v33, $0x2  }
0xce: {  	v31 =	vperm.xlane @!p0 v31, v32;
	v32 =	vmul.u32 @!p0 $0x8, v33;
	_ =	sdelay $0x1  }
0xcf: {  	v31 =	vadd.s32 @!p0 v32, v31;
	_ =	sdelay $0x3  }
0xd0: {  	vm1 =	vmmov @!p0 $0xffff;
	s12 =	simm.s32 @!p0 $0x600;
	s2 =	simm.s32 @!p0 $0x0  }
0xd1: {  	[tilespmem:s12], [sflag:$0x1] =	stream.indirect_vreg.gather @!p0 [hbm4b:s1+s2], $0x80, v31, vm1, $0xb8;
	[tilespmem:$0xE600] =	vst v63  }
0xd2: {  	s12 =	simm.s32 @!p0 $0xE00  }
0xd3: {  	[tilespmem:s12], [sflag:$0x1] =	stream.indirect_vreg.gather @!p0 [hbm4b:s5+s2], $0x80, v31, vm1, $0xb8;
	[tilespmem:$0xE600] =	vst v63  }
0xd4: {  	s12 =	simm.s32 @!p0 $0x1600  }
0xd5: {  	[tilespmem:s12], [sflag:$0x1] =	stream.indirect_vreg.gather @!p0 [hbm4b:s6+s2], $0x80, v31, vm1, $0xb8;
	[tilespmem:$0xE600] =	vst v63  }
0xd6: {  	s12 =	simm.s32 @!p0 $0x1E00  }
0xd7: {  	[tilespmem:s12], [sflag:$0x1] =	stream.indirect_vreg.gather @!p0 [hbm4b:s7+s2], $0x80, v31, vm1, $0xb8;
	[tilespmem:$0xE600] =	vst v63  }
0xd8: {  	s12 =	simm.s32 $0x0  }
0xd9: {  	v31 =	vld [tilespmem:s12+$0x2670]  }
0xda: {  	v51 =	vld [tilespmem:s12+$0x26F0]  }
0xdb: {  	v52 =	vld [tilespmem:s12+$0x2600]  }
0xdc: {  	v53 =	vld [tilespmem:s12+$0x2680]  }
0xdd: {  	v54 =	vld [tilespmem:s12+$0x2610]  }
0xde: {  	v55 =	vld [tilespmem:s12+$0x2690]  }
0xdf: {  	v56 =	vld [tilespmem:s12+$0x2620]  }
0xe0: {  	v57 =	vld [tilespmem:s12+$0x26A0]  }
0xe1: {  	v58 =	vld [tilespmem:s12+$0x2630];
	v31 =	vmul.f32 v31, v29;
	v32 =	vmul.f32 v51, v30  }
0xe2: {  	v59 =	vld [tilespmem:s12+$0x26B0]  }
0xe3: {  	v60 =	vld [tilespmem:s12+$0x2640];
	v31 =	vadd.f32 v32, v31  }
0xe4: {  	v62 =	vld [tilespmem:s12+$0x26C0]  }
0xe5: {  	v43 =	vld [tilespmem:s12+$0x2650];
	[tilespmem:v26+s12+$0x170 ss:$0x1] =	vst.idx.msk $0xffff, v31  }
0xe6: {  	v33 =	vmul.f32 v52, v29;
	v34 =	vmul.f32 v53, v30;
	v31 =	vld [tilespmem:s12+$0x2770]  }
0xe7: {  	v61 =	vld [tilespmem:s12+$0x27F0]  }
0xe8: {  	v63 =	vld [tilespmem:s12+$0x26D0];
	v35 =	vmul.f32 v54, v29;
	v36 =	vmul.f32 v55, v30;
	v33 =	vadd.f32 v34, v33  }
0xe9: {  	v45 =	vld [tilespmem:s12+$0x2660];
	v37 =	vmul.f32 v56, v29;
	v44 =	vmul.f32 v57, v30  }
0xea: {  	v47 =	vld [tilespmem:s12+$0x26E0];
	v35 =	vadd.f32 v36, v35;
	[tilespmem:v26+s12+$0x100 ss:$0x1] =	vst.idx.msk $0xffff, v33  }
0xeb: {  	v46 =	vmul.f32 v58, v29;
	v32 =	vmul.f32 v59, v30;
	v48 =	vadd.f32 v44, v37;
	v49 =	vld [tilespmem:s12+$0x2700]  }
0xec: {  	[tilespmem:v26+s12+$0x110 ss:$0x1] =	vst.idx.msk $0xffff, v35;
	v51 =	vld [tilespmem:s12+$0x2780];
	v31 =	vmul.f32 v31, v27;
	v50 =	vmul.f32 v61, v28  }
0xed: {  	v40 =	vmul.f32 v60, v29;
	v52 =	vmul.f32 v62, v30;
	v32 =	vadd.f32 v32, v46;
	v53 =	vld [tilespmem:s12+$0x2710]  }
0xee: {  	v55 =	vmul.f32 v43, v29;
	[tilespmem:v26+s12+$0x120 ss:$0x1] =	vst.idx.msk $0xffff, v48;
	v54 =	vld [tilespmem:s12+$0x2790];
	v31 =	vadd.f32 v50, v31  }
0xef: {  	v34 =	vmul.f32 v63, v30;
	v35 =	vadd.f32 v52, v40;
	v56 =	vld [tilespmem:s12+$0x2720];
	[tilespmem:v26+s12+$0x130 ss:$0x1] =	vst.idx.msk $0xffff, v32  }
0xf0: {  	v38 =	vmul.f32 v45, v29;
	v57 =	vld [tilespmem:s12+$0x27A0];
	[tilespmem:v26+s12+$0x1F0 ss:$0x1] =	vst.idx.msk $0xffff, v31;
	v31 =	vmul.f32 v47, v30  }
0xf1: {  	v33 =	vadd.f32 v34, v55;
	[tilespmem:v26+s12+$0x140 ss:$0x1] =	vst.idx.msk $0xffff, v35;
	v58 =	vld [tilespmem:s12+$0x2730]  }
0xf2: {  	v59 =	vmul.f32 v49, v27;
	v60 =	vmul.f32 v51, v28;
	v61 =	vld [tilespmem:s12+$0x27B0];
	v31 =	vadd.f32 v31, v38  }
0xf3: {  	[tilespmem:v26+s12+$0x150 ss:$0x1] =	vst.idx.msk $0xffff, v33;
	v32 =	vld [tilespmem:s12+$0x2740];
	v62 =	vmul.f32 v53, v27;
	v63 =	vmul.f32 v54, v28  }
0xf4: {  	v36 =	vadd.f32 v60, v59;
	[tilespmem:v26+s12+$0x160 ss:$0x1] =	vst.idx.msk $0xffff, v31;
	v31 =	vld [tilespmem:s12+$0x27C0]  }
0xf5: {  	v34 =	vld [tilespmem:s12+$0x2750];
	v40 =	vmul.f32 v56, v27;
	v39 =	vmul.f32 v57, v28;
	v38 =	vadd.f32 v63, v62  }
0xf6: {  	v33 =	vld [tilespmem:s12+$0x27D0];
	[tilespmem:v26+s12+$0x180 ss:$0x1] =	vst.idx.msk $0xffff, v36;
	v36 =	vmul.f32 v58, v27  }
0xf7: {  	s21 =	simm.s32 $0x800;
	s2 =	simm.s32 $0x0;
	v37 =	vmul.f32 v61, v28;
	[tilespmem:v26+s12+$0x190 ss:$0x1] =	vst.idx.msk $0xffff, v38;
	v38 =	vadd.f32 v39, v40;
	v35 =	vld [tilespmem:s12+$0x2760]  }
.LBB2_7:
0xf8: {  	s14 =	sshra.s32 s21, $0x2;
	v32 =	vmul.f32 v32, v27;
	v39 =	vld [tilespmem:s12+$0x27E0]  }
0xf9: {  	v40 =	vld [tilespmem:s14+$0x2670];
	[tilespmem:v26+s12+$0x1A0 ss:$0x1] =	vst.idx.msk $0xffff, v38;
	v36 =	vadd.f32 v37, v36;
	v31 =	vmul.f32 v31, v28  }
0xfa: {  	s2 =	sadd.s32 $0x8, s2;
	v37 =	vld [tilespmem:s14+$0x26F0];
	v34 =	vmul.f32 v34, v27  }
0xfb: {  	p1 =	slt.u32 s2, $0x78;
	v38 =	vld [tilespmem:s14+$0x2600];
	[tilespmem:v26+s12+$0x1B0 ss:$0x1] =	vst.idx.msk $0xffff, v36;
	v31 =	vadd.f32 v31, v32;
	v32 =	vmul.f32 v33, v28  }
0xfc: {  	v33 =	vld [tilespmem:s14+$0x2680];
	v35 =	vmul.f32 v35, v27  }
0xfd: {  	v36 =	vld [tilespmem:s14+$0x2610];
	[tilespmem:v26+s12+$0x1C0 ss:$0x1] =	vst.idx.msk $0xffff, v31;
	v31 =	vadd.f32 v32, v34;
	v32 =	vmul.f32 v39, v28  }
0xfe: {  	v34 =	vld [tilespmem:s14+$0x2690]  }
0xff: {  	v40 =	vmul.f32 v40, v29;
	v39 =	vld [tilespmem:s14+$0x2620];
	v37 =	vmul.f32 v37, v30;
	v32 =	vadd.f32 v32, v35  }
0x100: {  	v35 =	vmul.f32 v38, v29;
	v38 =	vld [tilespmem:s14+$0x26A0];
	[tilespmem:v26+s12+$0x1D0 ss:$0x1] =	vst.idx.msk $0xffff, v31  }
0x101: {  	v31 =	vmul.f32 v33, v30;
	v33 =	vld [tilespmem:s14+$0x2630];
	v37 =	vadd.f32 v37, v40;
	[tilespmem:v26+s12+$0x1E0 ss:$0x1] =	vst.idx.msk $0xffff, v32;
	s12 =	smov.u32 s14  }
0x102: {  	v32 =	vmul.f32 v36, v29;
	v36 =	vld [tilespmem:s12+$0x26B0]  }
0x103: {  	v31 =	vadd.f32 v31, v35;
	v34 =	vmul.f32 v34, v30;
	v35 =	vld [tilespmem:s12+$0x2640];
	[tilespmem:v26+s12+$0x170 ss:$0x1] =	vst.idx.msk $0xffff, v37  }
0x104: {  	v37 =	vmul.f32 v39, v29;
	v39 =	vld [tilespmem:s12+$0x2770]  }
0x105: {  	[tilespmem:v26+s12+$0x100 ss:$0x1] =	vst.idx.msk $0xffff, v31;
	v31 =	vadd.f32 v34, v32;
	v32 =	vmul.f32 v38, v30;
	v34 =	vld [tilespmem:s12+$0x27F0]  }
0x106: {  	v33 =	vmul.f32 v33, v29;
	v38 =	vld [tilespmem:s12+$0x26C0]  }
0x107: {  	[tilespmem:v26+s12+$0x110 ss:$0x1] =	vst.idx.msk $0xffff, v31;
	v31 =	vadd.f32 v32, v37;
	v32 =	vmul.f32 v36, v30;
	v36 =	vld [tilespmem:s12+$0x2650]  }
0x108: {  	v35 =	vmul.f32 v35, v29;
	v37 =	vld [tilespmem:s12+$0x26D0]  }
0x109: {  	[tilespmem:v26+s12+$0x120 ss:$0x1] =	vst.idx.msk $0xffff, v31;
	v31 =	vadd.f32 v32, v33;
	v32 =	vld [tilespmem:s12+$0x2660]  }
0x10a: {  	v39 =	vmul.f32 v39, v27;
	v33 =	vld [tilespmem:s12+$0x26E0];
	v34 =	vmul.f32 v34, v28  }
0x10b: {  	v40 =	vld [tilespmem:s12+$0x2700];
	[tilespmem:v26+s12+$0x130 ss:$0x1] =	vst.idx.msk $0xffff, v31;
	v31 =	vmul.f32 v38, v30  }
0x10c: {  	v38 =	vld [tilespmem:s12+$0x2780];
	v36 =	vmul.f32 v36, v29;
	v34 =	vadd.f32 v34, v39  }
0x10d: {  	v39 =	vld [tilespmem:s12+$0x2710];
	v31 =	vadd.f32 v31, v35;
	v35 =	vmul.f32 v37, v30  }
0x10e: {  	v37 =	vld [tilespmem:s12+$0x2790];
	v32 =	vmul.f32 v32, v29;
	[tilespmem:v26+s12+$0x1F0 ss:$0x1] =	vst.idx.msk $0xffff, v34  }
0x10f: {  	v34 =	vld [tilespmem:s12+$0x2720];
	[tilespmem:v26+s12+$0x140 ss:$0x1] =	vst.idx.msk $0xffff, v31;
	v31 =	vadd.f32 v35, v36;
	v33 =	vmul.f32 v33, v30  }
0x110: {  	v35 =	vmul.f32 v40, v27;
	v36 =	vld [tilespmem:s12+$0x27A0]  }
0x111: {  	v38 =	vmul.f32 v38, v28;
	v40 =	vld [tilespmem:s12+$0x2730];
	[tilespmem:v26+s12+$0x150 ss:$0x1] =	vst.idx.msk $0xffff, v31;
	v31 =	vadd.f32 v33, v32  }
0x112: {  	v33 =	vmul.f32 v39, v27;
	v39 =	vld [tilespmem:s12+$0x27B0]  }
.Ltmp6:
0x113: {  	v35 =	vadd.f32 v38, v35;
	v37 =	vmul.f32 v37, v28;
	v32 =	vld [tilespmem:s12+$0x2740];
	[tilespmem:v26+s12+$0x160 ss:$0x1] =	vst.idx.msk $0xffff, v31;
	(pc) =	sbr.rel @p1 .LBB2_7-.Ltmp6, $4  }
0x114: {  	v38 =	vmul.f32 v34, v27;
	v31 =	vld [tilespmem:s12+$0x27C0]  }
0x115: {  	[tilespmem:v26+s12+$0x180 ss:$0x1] =	vst.idx.msk $0xffff, v35;
	v35 =	vadd.f32 v37, v33;
	v37 =	vmul.f32 v36, v28;
	v34 =	vld [tilespmem:s12+$0x2750]  }
0x116: {  	v36 =	vmul.f32 v40, v27;
	v33 =	vld [tilespmem:s12+$0x27D0]  }
0x117: {  	s21 =	sadd.s32 $0x800, s21;
	[tilespmem:v26+s12+$0x190 ss:$0x1] =	vst.idx.msk $0xffff, v35;
	v38 =	vadd.f32 v37, v38;
	v37 =	vmul.f32 v39, v28;
	v35 =	vld [tilespmem:s12+$0x2760]  }
0x118: {  	_ = 	snop  }
0x119: {  	v29 =	vld [tilespmem:s12+$0x27E0];
	_ =	sdelay $0x2  }
0x11a: {  	v30 =	vmul.f32 v32, v27;
	[tilespmem:v26+s12+$0x1A0 ss:$0x1] =	vst.idx.msk $0xffff, v38;
	v31 =	vmul.f32 v31, v28  }
0x11b: {  	p1 =	seq.s32 s17, $0x2;
	v61 =	vadd.f32 v37, v36;
	v34 =	vmul.f32 v34, v27;
	v33 =	vmul.f32 v33, v28  }
.Ltmp7:
0x11c: {  	v30 =	vadd.f32 v31, v30;
	v27 =	vmul.f32 v35, v27;
	v62 =	vmul.f32 v29, v28;
	(pc) =	sbr.rel @p1 .LBB2_10-.Ltmp7, $4  }
0x11d: {  	[tilespmem:v26+s12+$0x1B0 ss:$0x1] =	vst.idx.msk $0xffff, v61;
	v63 =	vadd.f32 v33, v34  }
0x11e: {  	[tilespmem:v26+s12+$0x1C0 ss:$0x1] =	vst.idx.msk $0xffff, v30;
	v27 =	vadd.f32 v62, v27  }
0x11f: {  	s2 =	sshll.u32 s4, $0xB;
	[tilespmem:v26+s12+$0x1D0 ss:$0x1] =	vst.idx.msk $0xffff, v63  }
0x120: {  	[tilespmem:v26+s12+$0x1E0 ss:$0x1] =	vst.idx.msk $0xffff, v27;
	s12 =	sadd.s32 s2, s8  }
.Ltmp8:
0x121: {  	(pc) =	sbr.rel .LBB2_11-.Ltmp8, $4  }
0x122: {  	p1 =	seq.s32 s17, $0x1  }
0x123: {  	[hbm4b:s12+s13] =	stream.strided.scatter @p1 [tilespmem:s19], [sflag:$0x6], $0x2000, s25, s13, $0x38;
	[tilespmem:$0xE600] =	vst v63  }
0x124: {  	_ = 	snop  }
0x125: {  	[hbm4b:s12+s13] =	stream.strided.scatter @!p1 [tilespmem:s20], [sflag:$0x5], $0x2000, s25, s13, $0x38;
	[tilespmem:$0xE600] =	vst v63  }
.LBB2_10:
0x126: {  	s14 =	simm.s32 $0xC600  }
0x127: {  	[hbm4b:s12+s13] =	stream.strided.scatter [tilespmem:s14], [sflag:$0x7], $0x2000, s25, s13, $0x38;
	[tilespmem:$0xE600] =	vst v63  }
.LBB2_11:
0x128: {  	_ =	swait.ge [sflag:s15], $0x2000  }
0x129: {  	[sflag:s15] =	ssyncset.done $0x0  }
0x12a: {  	[sflag:s15] =	ssyncadd.s32 $0xFFFFE000  }
0x12b: {  	v26 =	vld.msk @!p0 [tilespmem:s9+$0x28], $0xf;
	_ =	sdelay $0x4  }
0x12c: {  	v27 =	vshll.u32 @!p0 v26, $0x4  }
0x12d: {  	v28 =	vlaneseq.u32 @!p0;
	v26 =	vand.u32 @!p0 $0x7, v26;
	v27 =	vand.u32 @!p0 $0xFFFFFF80, v27  }
0x12e: {  	v26 =	vor.u32 @!p0 v26, v27;
	v27 =	vand.u32 @!p0 $0x3, v28;
	v28 =	vshrl.u32 @!p0 v28, $0x2  }
0x12f: {  	v26 =	vperm.xlane @!p0 v26, v27;
	v27 =	vmul.u32 @!p0 $0x8, v28;
	_ =	sdelay $0x1  }
0x130: {  	v26 =	vadd.s32 @!p0 v27, v26;
	_ =	sdelay $0x2  }
0x131: {  	s12 =	simm.s32 @!p0 $0x0  }
0x132: {  	s14 =	simm.s32 @!p0 $0x2600;
	s11 =	sor.u32 $0x1, s11;
	p1 =	seq.s32 @!p0 s4, $0x0  }
0x133: {  	[tilespmem:s14], [sflag:$0x2] =	stream.indirect_vreg.gather @!p0 [hbm4b:s1+s12], $0x80, v26, vm1, $0xb8;
	[tilespmem:$0xE600] =	vst v63  }
0x134: {  	s21 =	smulhi.u32 $0x55555556, s11;
	p1 =	por p0, !p1;
	s14 =	simm.s32 @!p0 $0x2E00  }
0x135: {  	[tilespmem:s14], [sflag:$0x2] =	stream.indirect_vreg.gather @!p0 [hbm4b:s5+s12], $0x80, v26, vm1, $0xb8;
	[tilespmem:$0xE600] =	vst v63  }
.Ltmp9:
0x136: {  	_ = 	snop;
	(pc) =	sbr.rel @!p1 .LBB2_13-.Ltmp9, $4  }
0x137: {  	s21 =	smul.u32 $0x3, s21;
	s14 =	simm.s32 @!p0 $0x3600  }
0x138: {  	[tilespmem:s14], [sflag:$0x2] =	stream.indirect_vreg.gather @!p0 [hbm4b:s6+s12], $0x80, v26, vm1, $0xb8;
	[tilespmem:$0xE600] =	vst v63  }
0x139: {  	s17 =	simm.s32 @!p0 $0x3E00;
	s11 =	ssub.s32 s11, s21  }
0x13a: {  	[tilespmem:s17], [sflag:$0x2] =	stream.indirect_vreg.gather @!p0 [hbm4b:s7+s12], $0x80, v26, vm1, $0xb8;
	[tilespmem:$0xE600] =	vst v63  }
0x13b: {  	p1 =	seq.s32 s11, $0x0  }
0x13c: {  	p2 =	seq.s32 @!p1 s11, $0x2  }
0x13d: {  	p2 =	por !p2, p1  }
0x13e: {  	s12 =	simm.s32 @!p2 $0x7  }
0x13f: {  	s12 =	simm.s32 @p2 $0x6  }
0x140: {  	s12 =	simm.s32 @p1 $0x5  }
0x141: {  	_ =	swait.ge [sflag:s12], $0x2000  }
0x142: {  	[sflag:s12] =	ssyncset.done $0x0  }
0x143: {  	[sflag:s12] =	ssyncadd.s32 $0xFFFFE000  }
.LBB2_13:
0x144: {  	s12 =	simm.s32 $0x0  }
0x145: {  	v27 =	vld [tilespmem:s12+$0x4670]  }
0x146: {  	v28 =	vld [tilespmem:s12+$0x46F0]  }
0x147: {  	v29 =	vld [tilespmem:s12+$0x4600]  }
0x148: {  	v30 =	vld [tilespmem:s12+$0x4680]  }
0x149: {  	v31 =	vld [tilespmem:s12+$0x4610]  }
0x14a: {  	v32 =	vld [tilespmem:s12+$0x4690]  }
0x14b: {  	v33 =	vld [tilespmem:s12+$0x4620]  }
0x14c: {  	v26 =	vmov s18;
	v34 =	vld [tilespmem:s12+$0x46A0]  }
0x14d: {  	v35 =	vld [tilespmem:s12+$0x4630];
	v27 =	vmul.f32 v27, v23;
	v28 =	vmul.f32 v28, v24  }
0x14e: {  	v36 =	vld [tilespmem:s12+$0x4640]  }
0x14f: {  	v38 =	vld [tilespmem:s12+$0x46C0];
	v27 =	vadd.f32 v28, v27  }
0x150: {  	v39 =	vld [tilespmem:s12+$0x4650]  }
0x151: {  	v28 =	vld [tilespmem:s12+$0x46B0];
	[tilespmem:v26+s12+$0x2070 ss:$0x1] =	vst.idx.msk $0xffff, v27  }
0x152: {  	v29 =	vmul.f32 v29, v23;
	v30 =	vmul.f32 v30, v24;
	v27 =	vld [tilespmem:s12+$0x4770]  }
0x153: {  	v31 =	vmul.f32 v31, v23;
	v32 =	vmul.f32 v32, v24;
	v37 =	vld [tilespmem:s12+$0x47F0]  }
0x154: {  	v54 =	vld [tilespmem:s12+$0x4660];
	v29 =	vadd.f32 v30, v29  }
0x155: {  	v55 =	vld [tilespmem:s12+$0x46E0];
	v33 =	vmul.f32 v33, v23;
	v53 =	vmul.f32 v34, v24;
	v31 =	vadd.f32 v32, v31  }
0x156: {  	v30 =	vld [tilespmem:s12+$0x46D0];
	[tilespmem:v26+s12+$0x2000 ss:$0x1] =	vst.idx.msk $0xffff, v29;
	v29 =	vmul.f32 v35, v23;
	v28 =	vmul.f32 v28, v24  }
0x157: {  	[tilespmem:v26+s12+$0x2010 ss:$0x1] =	vst.idx.msk $0xffff, v31;
	v31 =	vadd.f32 v53, v33;
	v56 =	vld [tilespmem:s12+$0x4700]  }
0x158: {  	v57 =	vld [tilespmem:s12+$0x4780];
	v28 =	vadd.f32 v28, v29;
	v27 =	vmul.f32 v27, v22;
	v29 =	vmul.f32 v37, v25  }
0x159: {  	v36 =	vmul.f32 v36, v23;
	v58 =	vld [tilespmem:s12+$0x4710];
	[tilespmem:v26+s12+$0x2020 ss:$0x1] =	vst.idx.msk $0xffff, v31;
	v31 =	vmul.f32 v38, v24  }
0x15a: {  	[tilespmem:v26+s12+$0x2030 ss:$0x1] =	vst.idx.msk $0xffff, v28;
	v28 =	vld [tilespmem:s12+$0x4790];
	v27 =	vadd.f32 v29, v27  }
0x15b: {  	v30 =	vmul.f32 v30, v24;
	v59 =	vld [tilespmem:s12+$0x4720];
	v31 =	vadd.f32 v31, v36;
	v29 =	vmul.f32 v39, v23  }
0x15c: {  	v34 =	vmul.f32 v54, v23;
	v60 =	vld [tilespmem:s12+$0x47A0];
	[tilespmem:v26+s12+$0x20F0 ss:$0x1] =	vst.idx.msk $0xffff, v27;
	v27 =	vmul.f32 v55, v24  }
0x15d: {  	[tilespmem:v26+s12+$0x2040 ss:$0x1] =	vst.idx.msk $0xffff, v31;
	v62 =	vld [tilespmem:s12+$0x47B0];
	v29 =	vadd.f32 v30, v29  }
0x15e: {  	v61 =	vmul.f32 v57, v25;
	v31 =	vld [tilespmem:s12+$0x4730];
	v30 =	vmul.f32 v56, v22;
	v27 =	vadd.f32 v27, v34  }
0x15f: {  	[tilespmem:v26+s12+$0x2050 ss:$0x1] =	vst.idx.msk $0xffff, v29;
	v29 =	vmul.f32 v58, v22;
	v63 =	vmul.f32 v28, v25;
	v28 =	vld [tilespmem:s12+$0x4740]  }
0x160: {  	v32 =	vadd.f32 v61, v30;
	[tilespmem:v26+s12+$0x2060 ss:$0x1] =	vst.idx.msk $0xffff, v27;
	v27 =	vld [tilespmem:s12+$0x47C0]  }
0x161: {  	v36 =	vmul.f32 v59, v22;
	v35 =	vmul.f32 v60, v25;
	v30 =	vld [tilespmem:s12+$0x4750];
	v34 =	vadd.f32 v63, v29  }
0x162: {  	v33 =	vmul.f32 v62, v25;
	[tilespmem:v26+s12+$0x2080 ss:$0x1] =	vst.idx.msk $0xffff, v32;
	v29 =	vld [tilespmem:s12+$0x47D0]  }
0x163: {  	s17 =	simm.s32 $0x0;
	s18 =	simm.s32 $0x800;
	v32 =	vmul.f32 v31, v22;
	v31 =	vld [tilespmem:s12+$0x4760];
	[tilespmem:v26+s12+$0x2090 ss:$0x1] =	vst.idx.msk $0xffff, v34;
	v34 =	vadd.f32 v35, v36  }
.LBB2_14:
0x164: {  	s14 =	sshra.s32 s18, $0x2;
	v28 =	vmul.f32 v28, v22;
	v35 =	vld [tilespmem:s12+$0x47E0]  }
0x165: {  	v36 =	vld [tilespmem:s14+$0x4670];
	[tilespmem:v26+s12+$0x20A0 ss:$0x1] =	vst.idx.msk $0xffff, v34;
	v32 =	vadd.f32 v33, v32;
	v27 =	vmul.f32 v27, v25  }
0x166: {  	s17 =	sadd.s32 $0x8, s17;
	v33 =	vld [tilespmem:s14+$0x46F0];
	v30 =	vmul.f32 v30, v22  }
0x167: {  	p1 =	slt.u32 s17, $0x78;
	v34 =	vld [tilespmem:s14+$0x4600];
	[tilespmem:v26+s12+$0x20B0 ss:$0x1] =	vst.idx.msk $0xffff, v32;
	v27 =	vadd.f32 v27, v28;
	v28 =	vmul.f32 v29, v25  }
0x168: {  	v29 =	vld [tilespmem:s14+$0x4680];
	v31 =	vmul.f32 v31, v22  }
0x169: {  	v32 =	vld [tilespmem:s14+$0x4610];
	[tilespmem:v26+s12+$0x20C0 ss:$0x1] =	vst.idx.msk $0xffff, v27;
	v27 =	vadd.f32 v28, v30;
	v28 =	vmul.f32 v35, v25  }
0x16a: {  	v30 =	vld [tilespmem:s14+$0x4690]  }
0x16b: {  	v36 =	vmul.f32 v36, v23;
	v35 =	vld [tilespmem:s14+$0x4620];
	v33 =	vmul.f32 v33, v24;
	v28 =	vadd.f32 v28, v31  }
0x16c: {  	v31 =	vmul.f32 v34, v23;
	v34 =	vld [tilespmem:s14+$0x46A0];
	[tilespmem:v26+s12+$0x20D0 ss:$0x1] =	vst.idx.msk $0xffff, v27  }
0x16d: {  	v27 =	vmul.f32 v29, v24;
	v29 =	vld [tilespmem:s14+$0x4630];
	v33 =	vadd.f32 v33, v36;
	[tilespmem:v26+s12+$0x20E0 ss:$0x1] =	vst.idx.msk $0xffff, v28;
	s12 =	smov.u32 s14  }
0x16e: {  	v28 =	vmul.f32 v32, v23;
	v32 =	vld [tilespmem:s12+$0x46B0]  }
0x16f: {  	v27 =	vadd.f32 v27, v31;
	v30 =	vmul.f32 v30, v24;
	v31 =	vld [tilespmem:s12+$0x4640];
	[tilespmem:v26+s12+$0x2070 ss:$0x1] =	vst.idx.msk $0xffff, v33  }
0x170: {  	v33 =	vmul.f32 v35, v23;
	v35 =	vld [tilespmem:s12+$0x4770]  }
0x171: {  	[tilespmem:v26+s12+$0x2000 ss:$0x1] =	vst.idx.msk $0xffff, v27;
	v27 =	vadd.f32 v30, v28;
	v28 =	vmul.f32 v34, v24;
	v30 =	vld [tilespmem:s12+$0x47F0]  }
0x172: {  	v29 =	vmul.f32 v29, v23;
	v34 =	vld [tilespmem:s12+$0x46C0]  }
0x173: {  	[tilespmem:v26+s12+$0x2010 ss:$0x1] =	vst.idx.msk $0xffff, v27;
	v27 =	vadd.f32 v28, v33;
	v28 =	vmul.f32 v32, v24;
	v32 =	vld [tilespmem:s12+$0x4650]  }
0x174: {  	v31 =	vmul.f32 v31, v23;
	v33 =	vld [tilespmem:s12+$0x46D0]  }
0x175: {  	[tilespmem:v26+s12+$0x2020 ss:$0x1] =	vst.idx.msk $0xffff, v27;
	v27 =	vadd.f32 v28, v29;
	v28 =	vld [tilespmem:s12+$0x4660]  }
0x176: {  	v35 =	vmul.f32 v35, v22;
	v29 =	vld [tilespmem:s12+$0x46E0];
	v30 =	vmul.f32 v30, v25  }
0x177: {  	v36 =	vld [tilespmem:s12+$0x4700];
	[tilespmem:v26+s12+$0x2030 ss:$0x1] =	vst.idx.msk $0xffff, v27;
	v27 =	vmul.f32 v34, v24  }
0x178: {  	v34 =	vld [tilespmem:s12+$0x4780];
	v32 =	vmul.f32 v32, v23;
	v30 =	vadd.f32 v30, v35  }
0x179: {  	v35 =	vld [tilespmem:s12+$0x4710];
	v27 =	vadd.f32 v27, v31;
	v31 =	vmul.f32 v33, v24  }
0x17a: {  	v33 =	vld [tilespmem:s12+$0x4790];
	v28 =	vmul.f32 v28, v23;
	[tilespmem:v26+s12+$0x20F0 ss:$0x1] =	vst.idx.msk $0xffff, v30  }
0x17b: {  	v30 =	vld [tilespmem:s12+$0x4720];
	[tilespmem:v26+s12+$0x2040 ss:$0x1] =	vst.idx.msk $0xffff, v27;
	v27 =	vadd.f32 v31, v32;
	v29 =	vmul.f32 v29, v24  }
0x17c: {  	v31 =	vmul.f32 v36, v22;
	v32 =	vld [tilespmem:s12+$0x47A0]  }
0x17d: {  	v34 =	vmul.f32 v34, v25;
	v36 =	vld [tilespmem:s12+$0x4730];
	[tilespmem:v26+s12+$0x2050 ss:$0x1] =	vst.idx.msk $0xffff, v27;
	v27 =	vadd.f32 v29, v28  }
0x17e: {  	v29 =	vmul.f32 v35, v22;
	v35 =	vld [tilespmem:s12+$0x47B0]  }
.Ltmp10:
0x17f: {  	v31 =	vadd.f32 v34, v31;
	v33 =	vmul.f32 v33, v25;
	v28 =	vld [tilespmem:s12+$0x4740];
	[tilespmem:v26+s12+$0x2060 ss:$0x1] =	vst.idx.msk $0xffff, v27;
	(pc) =	sbr.rel @p1 .LBB2_14-.Ltmp10, $4  }
0x180: {  	v34 =	vmul.f32 v30, v22;
	v27 =	vld [tilespmem:s12+$0x47C0]  }
0x181: {  	[tilespmem:v26+s12+$0x2080 ss:$0x1] =	vst.idx.msk $0xffff, v31;
	v31 =	vadd.f32 v33, v29;
	v33 =	vmul.f32 v32, v25;
	v30 =	vld [tilespmem:s12+$0x4750]  }
0x182: {  	v32 =	vmul.f32 v36, v22;
	v29 =	vld [tilespmem:s12+$0x47D0]  }
0x183: {  	s18 =	sadd.s32 $0x800, s18;
	[tilespmem:v26+s12+$0x2090 ss:$0x1] =	vst.idx.msk $0xffff, v31;
	v34 =	vadd.f32 v33, v34;
	v33 =	vmul.f32 v35, v25;
	v31 =	vld [tilespmem:s12+$0x4760]  }
0x184: {  	_ = 	snop  }
0x185: {  	v23 =	vld [tilespmem:s12+$0x47E0];
	_ =	sdelay $0x2  }
0x186: {  	v24 =	vmul.f32 v28, v22;
	[tilespmem:v26+s12+$0x20A0 ss:$0x1] =	vst.idx.msk $0xffff, v34;
	v27 =	vmul.f32 v27, v25  }
0x187: {  	v28 =	vadd.f32 v33, v32;
	v30 =	vmul.f32 v30, v22;
	v29 =	vmul.f32 v29, v25  }
0x188: {  	v24 =	vadd.f32 v27, v24;
	v22 =	vmul.f32 v31, v22;
	v23 =	vmul.f32 v23, v25  }
0x189: {  	[tilespmem:v26+s12+$0x20B0 ss:$0x1] =	vst.idx.msk $0xffff, v28;
	v25 =	vadd.f32 v29, v30  }
0x18a: {  	[tilespmem:v26+s12+$0x20C0 ss:$0x1] =	vst.idx.msk $0xffff, v24;
	v22 =	vadd.f32 v23, v22  }
0x18b: {  	[tilespmem:v26+s12+$0x20D0 ss:$0x1] =	vst.idx.msk $0xffff, v25  }
0x18c: {  	[tilespmem:v26+s12+$0x20E0 ss:$0x1] =	vst.idx.msk $0xffff, v22  }
0x18d: {  	_ =	swait.ge [sflag:s16], $0x2000  }
0x18e: {  	[sflag:s16] =	ssyncset.done $0x0  }
0x18f: {  	[sflag:s16] =	ssyncadd.s32 $0xFFFFE000  }
0x190: {  	v22 =	vld.msk @!p0 [tilespmem:s9+$0x30], $0xf;
	_ =	sdelay $0x4  }
0x191: {  	v23 =	vshll.u32 @!p0 v22, $0x4  }
0x192: {  	v24 =	vlaneseq.u32 @!p0;
	v22 =	vand.u32 @!p0 $0x7, v22;
	v23 =	vand.u32 @!p0 $0xFFFFFF80, v23  }
0x193: {  	v22 =	vor.u32 @!p0 v22, v23;
	v23 =	vand.u32 @!p0 $0x3, v24;
	v24 =	vshrl.u32 @!p0 v24, $0x2  }
0x194: {  	v22 =	vperm.xlane @!p0 v22, v23;
	v23 =	vmul.u32 @!p0 $0x8, v24;
	_ =	sdelay $0x1  }
0x195: {  	v22 =	vadd.s32 @!p0 v23, v22;
	_ =	sdelay $0x3  }
0x196: {  	s12 =	simm.s32 @!p0 $0x4600;
	s9 =	simm.s32 @!p0 $0x0  }
0x197: {  	[tilespmem:s12], [sflag:$0x3] =	stream.indirect_vreg.gather @!p0 [hbm4b:s1+s9], $0x80, v22, vm1, $0xb8;
	[tilespmem:$0xE600] =	vst v63  }
0x198: {  	s12 =	simm.s32 @!p0 $0x4E00  }
0x199: {  	[tilespmem:s12], [sflag:$0x3] =	stream.indirect_vreg.gather @!p0 [hbm4b:s5+s9], $0x80, v22, vm1, $0xb8;
	[tilespmem:$0xE600] =	vst v63  }
0x19a: {  	s12 =	simm.s32 @!p0 $0x5600  }
0x19b: {  	[tilespmem:s12], [sflag:$0x3] =	stream.indirect_vreg.gather @!p0 [hbm4b:s6+s9], $0x80, v22, vm1, $0xb8;
	[tilespmem:$0xE600] =	vst v63  }
0x19c: {  	s12 =	simm.s32 @!p0 $0x5E00  }
0x19d: {  	[tilespmem:s12], [sflag:$0x3] =	stream.indirect_vreg.gather @!p0 [hbm4b:s7+s9], $0x80, v22, vm1, $0xb8;
	[tilespmem:$0xE600] =	vst v63  }
0x19e: {  	s9 =	simm.s32 $0x0  }
0x19f: {  	v22 =	vld [tilespmem:s9+$0x6670]  }
0x1a0: {  	v23 =	vld [tilespmem:s9+$0x66F0]  }
0x1a1: {  	v24 =	vld [tilespmem:s9+$0x6600]  }
0x1a2: {  	v25 =	vld [tilespmem:s9+$0x6680]  }
0x1a3: {  	v27 =	vld [tilespmem:s9+$0x6610]  }
0x1a4: {  	v28 =	vld [tilespmem:s9+$0x6690]  }
0x1a5: {  	v29 =	vld [tilespmem:s9+$0x6620]  }
0x1a6: {  	v30 =	vld [tilespmem:s9+$0x66A0]  }
0x1a7: {  	v31 =	vld [tilespmem:s9+$0x6630];
	v22 =	vmul.f32 v22, v18;
	v23 =	vmul.f32 v23, v19  }
0x1a8: {  	v59 =	vld [tilespmem:s9+$0x6640]  }
0x1a9: {  	v61 =	vld [tilespmem:s9+$0x66C0];
	v22 =	vadd.f32 v23, v22  }
0x1aa: {  	v35 =	vld [tilespmem:s9+$0x6650]  }
0x1ab: {  	v23 =	vld [tilespmem:s9+$0x66B0];
	[tilespmem:v26+s9+$0x2170 ss:$0x1] =	vst.idx.msk $0xffff, v22  }
0x1ac: {  	v24 =	vmul.f32 v24, v18;
	v25 =	vmul.f32 v25, v19;
	v22 =	vld [tilespmem:s9+$0x6770]  }
0x1ad: {  	v27 =	vmul.f32 v27, v18;
	v28 =	vmul.f32 v28, v19;
	v60 =	vld [tilespmem:s9+$0x67F0]  }
0x1ae: {  	v24 =	vadd.f32 v25, v24;
	v25 =	vld [tilespmem:s9+$0x66D0]  }
0x1af: {  	v29 =	vmul.f32 v29, v18;
	v27 =	vadd.f32 v28, v27;
	v28 =	vmul.f32 v30, v19;
	v30 =	vld [tilespmem:s9+$0x6660]  }
0x1b0: {  	[tilespmem:v26+s9+$0x2100 ss:$0x1] =	vst.idx.msk $0xffff, v24;
	v24 =	vmul.f32 v31, v18;
	v31 =	vld [tilespmem:s9+$0x66E0];
	v23 =	vmul.f32 v23, v19  }
0x1b1: {  	[tilespmem:v26+s9+$0x2110 ss:$0x1] =	vst.idx.msk $0xffff, v27;
	v27 =	vadd.f32 v28, v29;
	v28 =	vld [tilespmem:s9+$0x6700]  }
0x1b2: {  	v29 =	vld [tilespmem:s9+$0x6780];
	v23 =	vadd.f32 v23, v24;
	v22 =	vmul.f32 v22, v20;
	v24 =	vmul.f32 v60, v21  }
0x1b3: {  	v32 =	vmul.f32 v59, v18;
	v62 =	vld [tilespmem:s9+$0x6710];
	[tilespmem:v26+s9+$0x2120 ss:$0x1] =	vst.idx.msk $0xffff, v27;
	v27 =	vmul.f32 v61, v19  }
0x1b4: {  	[tilespmem:v26+s9+$0x2130 ss:$0x1] =	vst.idx.msk $0xffff, v23;
	v23 =	vld [tilespmem:s9+$0x6790];
	v22 =	vadd.f32 v24, v22  }
0x1b5: {  	v25 =	vmul.f32 v25, v19;
	v63 =	vld [tilespmem:s9+$0x6720];
	v27 =	vadd.f32 v27, v32;
	v24 =	vmul.f32 v35, v18  }
0x1b6: {  	v30 =	vmul.f32 v30, v18;
	[tilespmem:v26+s9+$0x21F0 ss:$0x1] =	vst.idx.msk $0xffff, v22;
	v22 =	vmul.f32 v31, v19;
	v31 =	vld [tilespmem:s9+$0x67A0]  }
0x1b7: {  	[tilespmem:v26+s9+$0x2140 ss:$0x1] =	vst.idx.msk $0xffff, v27;
	v27 =	vld [tilespmem:s9+$0x6730];
	v24 =	vadd.f32 v25, v24  }
0x1b8: {  	v25 =	vmul.f32 v28, v20;
	v28 =	vmul.f32 v29, v21;
	v29 =	vld [tilespmem:s9+$0x67B0];
	v22 =	vadd.f32 v22, v30  }
0x1b9: {  	[tilespmem:v26+s9+$0x2150 ss:$0x1] =	vst.idx.msk $0xffff, v24;
	v24 =	vmul.f32 v62, v20;
	v30 =	vmul.f32 v23, v21;
	v23 =	vld [tilespmem:s9+$0x6740]  }
0x1ba: {  	v28 =	vadd.f32 v28, v25;
	[tilespmem:v26+s9+$0x2160 ss:$0x1] =	vst.idx.msk $0xffff, v22;
	v22 =	vld [tilespmem:s9+$0x67C0]  }
0x1bb: {  	v32 =	vmul.f32 v63, v20;
	v25 =	vld [tilespmem:s9+$0x6750];
	v30 =	vadd.f32 v30, v24;
	v31 =	vmul.f32 v31, v21  }
0x1bc: {  	[tilespmem:v26+s9+$0x2180 ss:$0x1] =	vst.idx.msk $0xffff, v28;
	v28 =	vmul.f32 v27, v20;
	v24 =	vld [tilespmem:s9+$0x67D0]  }
0x1bd: {  	s17 =	simm.s32 $0x800;
	s12 =	simm.s32 $0x0;
	v29 =	vmul.f32 v29, v21;
	v27 =	vld [tilespmem:s9+$0x6760];
	[tilespmem:v26+s9+$0x2190 ss:$0x1] =	vst.idx.msk $0xffff, v30;
	v30 =	vadd.f32 v31, v32  }
.LBB2_16:
0x1be: {  	s14 =	sshra.s32 s17, $0x2;
	v23 =	vmul.f32 v23, v20;
	v31 =	vld [tilespmem:s9+$0x67E0]  }
0x1bf: {  	v32 =	vld [tilespmem:s14+$0x6670];
	[tilespmem:v26+s9+$0x21A0 ss:$0x1] =	vst.idx.msk $0xffff, v30;
	v28 =	vadd.f32 v29, v28;
	v22 =	vmul.f32 v22, v21  }
0x1c0: {  	s12 =	sadd.s32 $0x8, s12;
	v29 =	vld [tilespmem:s14+$0x66F0];
	v25 =	vmul.f32 v25, v20  }
0x1c1: {  	p0 =	slt.u32 s12, $0x78;
	v30 =	vld [tilespmem:s14+$0x6600];
	[tilespmem:v26+s9+$0x21B0 ss:$0x1] =	vst.idx.msk $0xffff, v28;
	v22 =	vadd.f32 v22, v23;
	v23 =	vmul.f32 v24, v21  }
0x1c2: {  	v24 =	vld [tilespmem:s14+$0x6680];
	v27 =	vmul.f32 v27, v20  }
0x1c3: {  	v28 =	vld [tilespmem:s14+$0x6610];
	[tilespmem:v26+s9+$0x21C0 ss:$0x1] =	vst.idx.msk $0xffff, v22;
	v22 =	vadd.f32 v23, v25;
	v23 =	vmul.f32 v31, v21  }
0x1c4: {  	v25 =	vld [tilespmem:s14+$0x6690]  }
0x1c5: {  	v32 =	vmul.f32 v32, v18;
	v31 =	vld [tilespmem:s14+$0x6620];
	v29 =	vmul.f32 v29, v19;
	v23 =	vadd.f32 v23, v27  }
0x1c6: {  	v27 =	vmul.f32 v30, v18;
	v30 =	vld [tilespmem:s14+$0x66A0];
	[tilespmem:v26+s9+$0x21D0 ss:$0x1] =	vst.idx.msk $0xffff, v22  }
0x1c7: {  	v22 =	vmul.f32 v24, v19;
	v24 =	vld [tilespmem:s14+$0x6630];
	v29 =	vadd.f32 v29, v32;
	[tilespmem:v26+s9+$0x21E0 ss:$0x1] =	vst.idx.msk $0xffff, v23;
	s9 =	smov.u32 s14  }
0x1c8: {  	v23 =	vmul.f32 v28, v18;
	v28 =	vld [tilespmem:s9+$0x66B0]  }
0x1c9: {  	v22 =	vadd.f32 v22, v27;
	v25 =	vmul.f32 v25, v19;
	v27 =	vld [tilespmem:s9+$0x6640];
	[tilespmem:v26+s9+$0x2170 ss:$0x1] =	vst.idx.msk $0xffff, v29  }
0x1ca: {  	v29 =	vmul.f32 v31, v18;
	v31 =	vld [tilespmem:s9+$0x6770]  }
0x1cb: {  	[tilespmem:v26+s9+$0x2100 ss:$0x1] =	vst.idx.msk $0xffff, v22;
	v22 =	vadd.f32 v25, v23;
	v23 =	vmul.f32 v30, v19;
	v25 =	vld [tilespmem:s9+$0x67F0]  }
0x1cc: {  	v24 =	vmul.f32 v24, v18;
	v30 =	vld [tilespmem:s9+$0x66C0]  }
0x1cd: {  	[tilespmem:v26+s9+$0x2110 ss:$0x1] =	vst.idx.msk $0xffff, v22;
	v22 =	vadd.f32 v23, v29;
	v23 =	vmul.f32 v28, v19;
	v28 =	vld [tilespmem:s9+$0x6650]  }
0x1ce: {  	v27 =	vmul.f32 v27, v18;
	v29 =	vld [tilespmem:s9+$0x66D0]  }
0x1cf: {  	[tilespmem:v26+s9+$0x2120 ss:$0x1] =	vst.idx.msk $0xffff, v22;
	v22 =	vadd.f32 v23, v24;
	v23 =	vld [tilespmem:s9+$0x6660]  }
0x1d0: {  	v31 =	vmul.f32 v31, v20;
	v24 =	vld [tilespmem:s9+$0x66E0];
	v25 =	vmul.f32 v25, v21  }
0x1d1: {  	v32 =	vld [tilespmem:s9+$0x6700];
	[tilespmem:v26+s9+$0x2130 ss:$0x1] =	vst.idx.msk $0xffff, v22;
	v22 =	vmul.f32 v30, v19  }
0x1d2: {  	v30 =	vld [tilespmem:s9+$0x6780];
	v28 =	vmul.f32 v28, v18;
	v25 =	vadd.f32 v25, v31  }
0x1d3: {  	v31 =	vld [tilespmem:s9+$0x6710];
	v22 =	vadd.f32 v22, v27;
	v27 =	vmul.f32 v29, v19  }
0x1d4: {  	v29 =	vld [tilespmem:s9+$0x6790];
	v23 =	vmul.f32 v23, v18;
	[tilespmem:v26+s9+$0x21F0 ss:$0x1] =	vst.idx.msk $0xffff, v25  }
0x1d5: {  	v25 =	vld [tilespmem:s9+$0x6720];
	[tilespmem:v26+s9+$0x2140 ss:$0x1] =	vst.idx.msk $0xffff, v22;
	v22 =	vadd.f32 v27, v28;
	v24 =	vmul.f32 v24, v19  }
0x1d6: {  	v27 =	vmul.f32 v32, v20;
	v28 =	vld [tilespmem:s9+$0x67A0]  }
0x1d7: {  	v30 =	vmul.f32 v30, v21;
	v32 =	vld [tilespmem:s9+$0x6730];
	[tilespmem:v26+s9+$0x2150 ss:$0x1] =	vst.idx.msk $0xffff, v22;
	v22 =	vadd.f32 v24, v23  }
0x1d8: {  	v24 =	vmul.f32 v31, v20;
	v31 =	vld [tilespmem:s9+$0x67B0]  }
.Ltmp11:
0x1d9: {  	v27 =	vadd.f32 v30, v27;
	v29 =	vmul.f32 v29, v21;
	v23 =	vld [tilespmem:s9+$0x6740];
	[tilespmem:v26+s9+$0x2160 ss:$0x1] =	vst.idx.msk $0xffff, v22;
	(pc) =	sbr.rel @p0 .LBB2_16-.Ltmp11, $4  }
0x1da: {  	v30 =	vmul.f32 v25, v20;
	v22 =	vld [tilespmem:s9+$0x67C0]  }
0x1db: {  	[tilespmem:v26+s9+$0x2180 ss:$0x1] =	vst.idx.msk $0xffff, v27;
	v27 =	vadd.f32 v29, v24;
	v29 =	vmul.f32 v28, v21;
	v25 =	vld [tilespmem:s9+$0x6750]  }
0x1dc: {  	v28 =	vmul.f32 v32, v20;
	v24 =	vld [tilespmem:s9+$0x67D0]  }
0x1dd: {  	s17 =	sadd.s32 $0x800, s17;
	[tilespmem:v26+s9+$0x2190 ss:$0x1] =	vst.idx.msk $0xffff, v27;
	v30 =	vadd.f32 v29, v30;
	v29 =	vmul.f32 v31, v21;
	v27 =	vld [tilespmem:s9+$0x6760]  }
0x1de: {  	_ = 	snop  }
0x1df: {  	v18 =	vld [tilespmem:s9+$0x67E0];
	_ =	sdelay $0x2  }
0x1e0: {  	v19 =	vmul.f32 v23, v20;
	[tilespmem:v26+s9+$0x21A0 ss:$0x1] =	vst.idx.msk $0xffff, v30;
	v22 =	vmul.f32 v22, v21  }
0x1e1: {  	p0 =	seq.s32 s11, $0x2;
	v61 =	vadd.f32 v29, v28;
	v25 =	vmul.f32 v25, v20;
	v24 =	vmul.f32 v24, v21  }
.Ltmp12:
0x1e2: {  	v19 =	vadd.f32 v22, v19;
	v62 =	vmul.f32 v27, v20;
	v18 =	vmul.f32 v18, v21;
	(pc) =	sbr.rel @p0 .LBB2_19-.Ltmp12, $4  }
0x1e3: {  	[tilespmem:v26+s9+$0x21B0 ss:$0x1] =	vst.idx.msk $0xffff, v61;
	v63 =	vadd.f32 v24, v25  }
0x1e4: {  	[tilespmem:v26+s9+$0x21C0 ss:$0x1] =	vst.idx.msk $0xffff, v19;
	v18 =	vadd.f32 v18, v62  }
0x1e5: {  	[tilespmem:v26+s9+$0x21D0 ss:$0x1] =	vst.idx.msk $0xffff, v63  }
0x1e6: {  	s2 =	sadd.s32 s2, s10;
	[tilespmem:v26+s9+$0x21E0 ss:$0x1] =	vst.idx.msk $0xffff, v18  }
.Ltmp13:
0x1e7: {  	(pc) =	sbr.rel .LBB2_20-.Ltmp13, $4  }
0x1e8: {  	p0 =	seq.s32 s11, $0x1  }
0x1e9: {  	[hbm4b:s2+s13] =	stream.strided.scatter @p0 [tilespmem:s19], [sflag:$0x6], $0x2000, s25, s13, $0x38;
	[tilespmem:$0xE600] =	vst v63  }
0x1ea: {  	_ = 	snop  }
0x1eb: {  	[hbm4b:s2+s13] =	stream.strided.scatter @!p0 [tilespmem:s20], [sflag:$0x5], $0x2000, s25, s13, $0x38;
	[tilespmem:$0xE600] =	vst v63  }
.LBB2_22:
0x1ec: {  	_ =	sfence.sel $0x180000  }
0x1ed: {  	[bflag:$0x0] =	sbarrier.arrive $0xFFFF  }
0x1ee: {  	_ =	strace $0x90000047  }
0x1ef: {  	s0 =	stileid.u32;
	[bflag:$0x2] =	sbarrier.arrive $0xFFFF  }
0x1f0: {  	p0 =	sne.s32 s0, $0x0;
	s0 =	rddreg [dreg:$0x4]  }
0x1f1: {  	s0 =	sadd.s32 @!p0 $0x100000, s0  }
0x1f2: {  	[sflag:s0] =	ssyncadd.tile.s32 @!p0 $0x1;
	_ =	shalt  }
.Lfunc_end2:
_tile_overlayer_lowered:
.L_overlay_start_2:
0x1f3: {  	(tag) =	ssettag $0x2  }
0x1f4: {  	s0 =	rddreg [dreg:$0x0];
	s2 =	stileid.u32  }
0x1f5: {  	s1 =	rddreg [dreg:$0x1];
	p0 =	sne.s32 s2, $0x0  }
0x1f6: {  	s3 =	rddreg [dreg:$0x2];
	[bflag:$0x3] =	sbarrier.arrive $0xFFFF;
	s2 =	simm.s32 @!p0 $0x1C08  }
0x1f7: {  	[timem:s3], [sflag:s2] =	dma.local @!p0 [hbm:s0], s1  }
0x1f8: {  	s0 =	simm.s32 @!p0 $0x8  }
0x1f9: {  	_ =	swait.ge @!p0 [sflag:s0], s1  }
0x1fa: {  	s1 =	ssub.s32 @!p0 $0x0, s1;
	[sflag:s0] =	ssyncset.done @!p0 $0x0  }
0x1fb: {  	[sflag:s0] =	ssyncadd.s32 @!p0 s1  }
0x1fc: {  	[bflag:$0x3] =	sbarrier.arrive $0xFFFF  }
0x1fd: {  	_ =	shalt  }

</sc_bundles>
